<compile_context>
chip_gen: v7x
topology: tpu7x:2x2x1
jax: 0.10.2.dev20260603
libtpu: 0.0.44.dev20260713+nightly
codegen_flags: <defaults>
</compile_context>

<pallas_src>
import functools

import jax
import jax.numpy as jnp
from jax import lax
from jax.experimental import pallas as pl
from jax.experimental.pallas import tpu as pltpu
from jax.experimental.pallas import tpu_sc as plsc

NUM_USER = 1000000
NUM_MOVIE = 1000000
EMB = 32
BATCH = 16384

_NC = 2
_NS = 16
_NW = _NC * _NS
_BPW = BATCH // _NW
_ICH = 128
_NCH = _BPW // _ICH
_L = 16


def _mf_body(u_hbm, v_hbm, ue_hbm, me_hbm, ub_hbm, mb_hbm, out_hbm,
             idx_u, idx_v, urows, vrows, bu_v, bv_v, out_v, sem):
    wid = lax.axis_index("s") * _NC + lax.axis_index("c")
    base = wid * _BPW

    pltpu.sync_copy(u_hbm.at[pl.ds(base, _BPW)], idx_u)
    pltpu.sync_copy(v_hbm.at[pl.ds(base, _BPW)], idx_v)

    copies = []
    for j in range(_NCH):
        s = pl.ds(j * _ICH, _ICH)
        copies.append(pltpu.async_copy(ue_hbm.at[idx_u.at[s]], urows.at[s], sem))
        copies.append(pltpu.async_copy(me_hbm.at[idx_v.at[s]], vrows.at[s], sem))
        copies.append(pltpu.async_copy(ub_hbm.at[idx_u.at[s]], bu_v.at[s], sem))
        copies.append(pltpu.async_copy(mb_hbm.at[idx_v.at[s]], bv_v.at[s], sem))
    for c in copies:
        c.wait()

    iota = lax.iota(jnp.int32, _L)

    def chunk(i, _):
        r0 = i * _L
        rows = r0 + iota
        acc = bu_v[pl.ds(r0, _L)] + bv_v[pl.ds(r0, _L)]
        for d in range(EMB):
            dcol = jnp.full((_L,), d, jnp.int32)
            uc = plsc.load_gather(urows, [rows, dcol])
            vc = plsc.load_gather(vrows, [rows, dcol])
            acc = acc + uc * vc
        out_v[pl.ds(r0, _L)] = 4.0 / (1.0 + jnp.exp(-acc)) + 1.0
        return _

    lax.fori_loop(0, _BPW // _L, chunk, None)

    pltpu.sync_copy(out_v, out_hbm.at[pl.ds(base, _BPW)])


@jax.jit
def _mf_call(u, v, user_emb, movie_emb, user_bias, movie_bias):
    mesh = plsc.VectorSubcoreMesh(core_axis_name="c", subcore_axis_name="s")
    return pl.kernel(
        _mf_body,
        out_type=jax.ShapeDtypeStruct((BATCH,), jnp.float32),
        mesh=mesh,
        compiler_params=pltpu.CompilerParams(
            needs_layout_passes=False, use_tc_tiling_on_sc=False),
        scratch_types=[
            pltpu.VMEM((_BPW,), jnp.int32),
            pltpu.VMEM((_BPW,), jnp.int32),
            pltpu.VMEM((_BPW, EMB), jnp.float32),
            pltpu.VMEM((_BPW, EMB), jnp.float32),
            pltpu.VMEM((_BPW,), jnp.float32),
            pltpu.VMEM((_BPW,), jnp.float32),
            pltpu.VMEM((_BPW,), jnp.float32),
            pltpu.SemaphoreType.DMA,
        ],
    )(u, v, user_emb, movie_emb, user_bias, movie_bias)


def kernel(u, v, user_emb, movie_emb, user_bias, movie_bias):
    u = u.astype(jnp.int32)
    v = v.astype(jnp.int32)
    return _mf_call(u, v, user_emb, movie_emb,
                    user_bias.reshape(-1), movie_bias.reshape(-1))

# --- scband reference (transcript-rebuilt; emitter-appended) ---
"""Pipeline reference for scband-mfbias-29678224016137 (READ-ONLY COPY).

The authoritative reference and input builder live on the scoring server;
editing this copy changes nothing except your own understanding.
"""

import jax, jax.numpy as jnp
import numpy as np

NUM_USER = 1000000
NUM_MOVIE = 1000000
EMB_SIZE = 32
BATCH = 16384

def setup_inputs(seed: int = 0) -> dict:
    key = jax.random.key(seed)
    k_u, k_v, k_ue, k_me, k_ub, k_mb = jax.random.split(key, 6)
    u = jax.random.randint(k_u, (BATCH,), 0, NUM_USER, dtype=jnp.int64 if jax.config.jax_enable_x64 else jnp.int32)
    v = jax.random.randint(k_v, (BATCH,), 0, NUM_MOVIE, dtype=jnp.int64 if jax.config.jax_enable_x64 else jnp.int32)
    user_emb = jax.random.uniform(k_ue, (NUM_USER, EMB_SIZE), dtype=jnp.float32, minval=0.0, maxval=0.05)
    movie_emb = jax.random.uniform(k_me, (NUM_MOVIE, EMB_SIZE), dtype=jnp.float32, minval=0.0, maxval=0.05)
    user_bias = jax.random.uniform(k_ub, (NUM_USER, 1), dtype=jnp.float32, minval=-0.01, maxval=0.01)
    movie_bias = jax.random.uniform(k_mb, (NUM_MOVIE, 1), dtype=jnp.float32, minval=-0.01, maxval=0.01)
    return {"u": u, "v": v, "user_emb": user_emb, "movie_emb": movie_emb, "user_bias": user_bias, "movie_bias": movie_bias}

def reference(u, v, user_emb, movie_emb, user_bias, movie_bias):
    U = jnp.take(user_emb, u, axis=0)
    Vv = jnp.take(movie_emb, v, axis=0)
    b_u = jnp.take(user_bias, u, axis=0).squeeze(-1)
    b_v = jnp.take(movie_bias, v, axis=0).squeeze(-1)
    logits = (U * Vv).sum(axis=1) + b_u + b_v
    return jax.nn.sigmoid(logits) * 4.0 + 1.0

if __name__ == "__main__":
    import jax
    _d = setup_inputs()
    print(jax.jit(kernel)(*tuple(_d.values())))

</pallas_src>

<mosaic_0001>
#map = affine_map<(d0, d1) -> (0)>
#map1 = affine_map<(d0, d1) -> (0, 0)>
module attributes {stable_mosaic.version = 14 : i64} {
  func.func @_mf_body(%arg0: i32, %arg1: i32, %arg2: memref<16384xi32, #tpu.memory_space<hbm>>, %arg3: memref<16384xi32, #tpu.memory_space<hbm>>, %arg4: memref<1000000x32xf32, #tpu.memory_space<hbm>>, %arg5: memref<1000000x32xf32, #tpu.memory_space<hbm>>, %arg6: memref<1000000xf32, #tpu.memory_space<hbm>>, %arg7: memref<1000000xf32, #tpu.memory_space<hbm>>, %arg8: memref<16384xf32, #tpu.memory_space<hbm>>, %arg9: memref<512xi32, #tpu.memory_space<vmem>>, %arg10: memref<512xi32, #tpu.memory_space<vmem>>, %arg11: memref<512x32xf32, #tpu.memory_space<vmem>>, %arg12: memref<512x32xf32, #tpu.memory_space<vmem>>, %arg13: memref<512xf32, #tpu.memory_space<vmem>>, %arg14: memref<512xf32, #tpu.memory_space<vmem>>, %arg15: memref<512xf32, #tpu.memory_space<vmem>>, %arg16: memref<!tpu.dma_semaphore, #tpu.memory_space<semaphore_mem>>) attributes {dimension_semantics = [#tpu.dimension_semantics<core_parallel>, #tpu.dimension_semantics<subcore_parallel>], iteration_bounds = array<i64: 2, 16>, scalar_prefetch = 0 : i64, scratch_operands = 8 : i64, tpu.core_type = #tpu.core_type<sc_vector_subcore>, window_params = [{transform_indices = #map}, {transform_indices = #map}, {transform_indices = #map1}, {transform_indices = #map1}, {transform_indices = #map}, {transform_indices = #map}, {transform_indices = #map}]} {
    %mul3A = arith.constant 2 : i32
    %mul3A_0 = arith.muli %arg1, %mul3A : i32
    %add3A = arith.addi %mul3A_0, %arg0 : i32
    %mul3A_1 = arith.constant 512 : i32
    %mul3A_2 = arith.muli %add3A, %mul3A_1 : i32
    "tpu.region"() ({
      %run_scoped3A = tpu.sem_alloc : memref<!tpu.dma_semaphore, #tpu.memory_space<semaphore_mem>>
      %dma_start3A_229 = tpu.memref_slice %arg2[%mul3A_2] : memref<16384xi32, #tpu.memory_space<hbm>> -> memref<512xi32, #tpu.memory_space<hbm>>
      %dma_start3A_230 = tpu.memref_slice %arg2[%mul3A_2] : memref<16384xi32, #tpu.memory_space<hbm>> -> memref<512xi32, #tpu.memory_space<hbm>>
      tpu.enqueue_dma source(%dma_start3A_230 : memref<512xi32, #tpu.memory_space<hbm>>) target(%arg9 : memref<512xi32, #tpu.memory_space<vmem>>) target_semaphore(%run_scoped3A : memref<!tpu.dma_semaphore, #tpu.memory_space<semaphore_mem>>)
      %dma_wait3A_231 = tpu.memref_slice %arg2[%mul3A_2] : memref<16384xi32, #tpu.memory_space<hbm>> -> memref<512xi32, #tpu.memory_space<hbm>>
      %dma_wait3A_232 = tpu.memref_slice %arg2[%mul3A_2] : memref<16384xi32, #tpu.memory_space<hbm>> -> memref<512xi32, #tpu.memory_space<hbm>>
      tpu.wait_dma2 semaphore(%run_scoped3A : memref<!tpu.dma_semaphore, #tpu.memory_space<semaphore_mem>>) src(%dma_wait3A_232 : memref<512xi32, #tpu.memory_space<hbm>>) dst(%arg9 : memref<512xi32, #tpu.memory_space<vmem>>)
      tpu.yield
    }) : () -> ()
    "tpu.region"() ({
      %run_scoped3A = tpu.sem_alloc : memref<!tpu.dma_semaphore, #tpu.memory_space<semaphore_mem>>
      %dma_start3A_229 = tpu.memref_slice %arg3[%mul3A_2] : memref<16384xi32, #tpu.memory_space<hbm>> -> memref<512xi32, #tpu.memory_space<hbm>>
      %dma_start3A_230 = tpu.memref_slice %arg3[%mul3A_2] : memref<16384xi32, #tpu.memory_space<hbm>> -> memref<512xi32, #tpu.memory_space<hbm>>
      tpu.enqueue_dma source(%dma_start3A_230 : memref<512xi32, #tpu.memory_space<hbm>>) target(%arg10 : memref<512xi32, #tpu.memory_space<vmem>>) target_semaphore(%run_scoped3A : memref<!tpu.dma_semaphore, #tpu.memory_space<semaphore_mem>>)
      %dma_wait3A_231 = tpu.memref_slice %arg3[%mul3A_2] : memref<16384xi32, #tpu.memory_space<hbm>> -> memref<512xi32, #tpu.memory_space<hbm>>
      %dma_wait3A_232 = tpu.memref_slice %arg3[%mul3A_2] : memref<16384xi32, #tpu.memory_space<hbm>> -> memref<512xi32, #tpu.memory_space<hbm>>
      tpu.wait_dma2 semaphore(%run_scoped3A : memref<!tpu.dma_semaphore, #tpu.memory_space<semaphore_mem>>) src(%dma_wait3A_232 : memref<512xi32, #tpu.memory_space<hbm>>) dst(%arg10 : memref<512xi32, #tpu.memory_space<vmem>>)
      tpu.yield
    }) : () -> ()
    %dma_start3A = arith.constant 0 : i32
    %dma_start3A_3 = arith.constant 0 : i32
    %dma_start3A_4 = tpu.memref_slice %arg11[%dma_start3A, %dma_start3A_3] : memref<512x32xf32, #tpu.memory_space<vmem>> -> memref<128x32xf32, #tpu.memory_space<vmem>>
    %dma_start3A_5 = arith.constant 0 : i32
    %dma_start3A_6 = tpu.memref_slice %arg9[%dma_start3A_5] : memref<512xi32, #tpu.memory_space<vmem>> -> memref<128xi32, #tpu.memory_space<vmem>>
    %dma_start3A_7 = arith.constant 0 : i32
    %dma_start3A_8 = arith.constant 0 : i32
    %dma_start3A_9 = tpu.memref_slice %arg4[%dma_start3A_7, %dma_start3A_8] : memref<1000000x32xf32, #tpu.memory_space<hbm>> -> memref<1000000x32xf32, #tpu.memory_space<hbm>>
    tpu.enqueue_indirect_dma source(%dma_start3A_9 : memref<1000000x32xf32, #tpu.memory_space<hbm>>) target(%dma_start3A_4 : memref<128x32xf32, #tpu.memory_space<vmem>>) offsets(%dma_start3A_6 : memref<128xi32, #tpu.memory_space<vmem>>) semaphore(%arg16 : memref<!tpu.dma_semaphore, #tpu.memory_space<semaphore_mem>>)
    %dma_start3A_10 = arith.constant 0 : i32
    %dma_start3A_11 = arith.constant 0 : i32
    %dma_start3A_12 = tpu.memref_slice %arg12[%dma_start3A_10, %dma_start3A_11] : memref<512x32xf32, #tpu.memory_space<vmem>> -> memref<128x32xf32, #tpu.memory_space<vmem>>
    %dma_start3A_13 = arith.constant 0 : i32
    %dma_start3A_14 = tpu.memref_slice %arg10[%dma_start3A_13] : memref<512xi32, #tpu.memory_space<vmem>> -> memref<128xi32, #tpu.memory_space<vmem>>
    %dma_start3A_15 = arith.constant 0 : i32
    %dma_start3A_16 = arith.constant 0 : i32
    %dma_start3A_17 = tpu.memref_slice %arg5[%dma_start3A_15, %dma_start3A_16] : memref<1000000x32xf32, #tpu.memory_space<hbm>> -> memref<1000000x32xf32, #tpu.memory_space<hbm>>
    tpu.enqueue_indirect_dma source(%dma_start3A_17 : memref<1000000x32xf32, #tpu.memory_space<hbm>>) target(%dma_start3A_12 : memref<128x32xf32, #tpu.memory_space<vmem>>) offsets(%dma_start3A_14 : memref<128xi32, #tpu.memory_space<vmem>>) semaphore(%arg16 : memref<!tpu.dma_semaphore, #tpu.memory_space<semaphore_mem>>)
    %dma_start3A_18 = arith.constant 0 : i32
    %dma_start3A_19 = tpu.memref_slice %arg13[%dma_start3A_18] : memref<512xf32, #tpu.memory_space<vmem>> -> memref<128xf32, #tpu.memory_space<vmem>>
    %dma_start3A_20 = arith.constant 0 : i32
    %dma_start3A_21 = tpu.memref_slice %arg9[%dma_start3A_20] : memref<512xi32, #tpu.memory_space<vmem>> -> memref<128xi32, #tpu.memory_space<vmem>>
    %dma_start3A_22 = arith.constant 0 : i32
    %dma_start3A_23 = tpu.memref_slice %arg6[%dma_start3A_22] : memref<1000000xf32, #tpu.memory_space<hbm>> -> memref<1000000xf32, #tpu.memory_space<hbm>>
    tpu.enqueue_indirect_dma source(%dma_start3A_23 : memref<1000000xf32, #tpu.memory_space<hbm>>) target(%dma_start3A_19 : memref<128xf32, #tpu.memory_space<vmem>>) offsets(%dma_start3A_21 : memref<128xi32, #tpu.memory_space<vmem>>) semaphore(%arg16 : memref<!tpu.dma_semaphore, #tpu.memory_space<semaphore_mem>>)
    %dma_start3A_24 = arith.constant 0 : i32
    %dma_start3A_25 = tpu.memref_slice %arg14[%dma_start3A_24] : memref<512xf32, #tpu.memory_space<vmem>> -> memref<128xf32, #tpu.memory_space<vmem>>
    %dma_start3A_26 = arith.constant 0 : i32
    %dma_start3A_27 = tpu.memref_slice %arg10[%dma_start3A_26] : memref<512xi32, #tpu.memory_space<vmem>> -> memref<128xi32, #tpu.memory_space<vmem>>
    %dma_start3A_28 = arith.constant 0 : i32
    %dma_start3A_29 = tpu.memref_slice %arg7[%dma_start3A_28] : memref<1000000xf32, #tpu.memory_space<hbm>> -> memref<1000000xf32, #tpu.memory_space<hbm>>
    tpu.enqueue_indirect_dma source(%dma_start3A_29 : memref<1000000xf32, #tpu.memory_space<hbm>>) target(%dma_start3A_25 : memref<128xf32, #tpu.memory_space<vmem>>) offsets(%dma_start3A_27 : memref<128xi32, #tpu.memory_space<vmem>>) semaphore(%arg16 : memref<!tpu.dma_semaphore, #tpu.memory_space<semaphore_mem>>)
    %dma_start3A_30 = arith.constant 128 : i32
    %dma_start3A_31 = arith.constant 0 : i32
    %dma_start3A_32 = tpu.memref_slice %arg11[%dma_start3A_30, %dma_start3A_31] : memref<512x32xf32, #tpu.memory_space<vmem>> -> memref<128x32xf32, #tpu.memory_space<vmem>>
    %dma_start3A_33 = arith.constant 128 : i32
    %dma_start3A_34 = tpu.memref_slice %arg9[%dma_start3A_33] : memref<512xi32, #tpu.memory_space<vmem>> -> memref<128xi32, #tpu.memory_space<vmem>>
    %dma_start3A_35 = arith.constant 0 : i32
    %dma_start3A_36 = arith.constant 0 : i32
    %dma_start3A_37 = tpu.memref_slice %arg4[%dma_start3A_35, %dma_start3A_36] : memref<1000000x32xf32, #tpu.memory_space<hbm>> -> memref<1000000x32xf32, #tpu.memory_space<hbm>>
    tpu.enqueue_indirect_dma source(%dma_start3A_37 : memref<1000000x32xf32, #tpu.memory_space<hbm>>) target(%dma_start3A_32 : memref<128x32xf32, #tpu.memory_space<vmem>>) offsets(%dma_start3A_34 : memref<128xi32, #tpu.memory_space<vmem>>) semaphore(%arg16 : memref<!tpu.dma_semaphore, #tpu.memory_space<semaphore_mem>>)
    %dma_start3A_38 = arith.constant 128 : i32
    %dma_start3A_39 = arith.constant 0 : i32
    %dma_start3A_40 = tpu.memref_slice %arg12[%dma_start3A_38, %dma_start3A_39] : memref<512x32xf32, #tpu.memory_space<vmem>> -> memref<128x32xf32, #tpu.memory_space<vmem>>
    %dma_start3A_41 = arith.constant 128 : i32
    %dma_start3A_42 = tpu.memref_slice %arg10[%dma_start3A_41] : memref<512xi32, #tpu.memory_space<vmem>> -> memref<128xi32, #tpu.memory_space<vmem>>
    %dma_start3A_43 = arith.constant 0 : i32
    %dma_start3A_44 = arith.constant 0 : i32
    %dma_start3A_45 = tpu.memref_slice %arg5[%dma_start3A_43, %dma_start3A_44] : memref<1000000x32xf32, #tpu.memory_space<hbm>> -> memref<1000000x32xf32, #tpu.memory_space<hbm>>
    tpu.enqueue_indirect_dma source(%dma_start3A_45 : memref<1000000x32xf32, #tpu.memory_space<hbm>>) target(%dma_start3A_40 : memref<128x32xf32, #tpu.memory_space<vmem>>) offsets(%dma_start3A_42 : memref<128xi32, #tpu.memory_space<vmem>>) semaphore(%arg16 : memref<!tpu.dma_semaphore, #tpu.memory_space<semaphore_mem>>)
    %dma_start3A_46 = arith.constant 128 : i32
    %dma_start3A_47 = tpu.memref_slice %arg13[%dma_start3A_46] : memref<512xf32, #tpu.memory_space<vmem>> -> memref<128xf32, #tpu.memory_space<vmem>>
    %dma_start3A_48 = arith.constant 128 : i32
    %dma_start3A_49 = tpu.memref_slice %arg9[%dma_start3A_48] : memref<512xi32, #tpu.memory_space<vmem>> -> memref<128xi32, #tpu.memory_space<vmem>>
    %dma_start3A_50 = arith.constant 0 : i32
    %dma_start3A_51 = tpu.memref_slice %arg6[%dma_start3A_50] : memref<1000000xf32, #tpu.memory_space<hbm>> -> memref<1000000xf32, #tpu.memory_space<hbm>>
    tpu.enqueue_indirect_dma source(%dma_start3A_51 : memref<1000000xf32, #tpu.memory_space<hbm>>) target(%dma_start3A_47 : memref<128xf32, #tpu.memory_space<vmem>>) offsets(%dma_start3A_49 : memref<128xi32, #tpu.memory_space<vmem>>) semaphore(%arg16 : memref<!tpu.dma_semaphore, #tpu.memory_space<semaphore_mem>>)
    %dma_start3A_52 = arith.constant 128 : i32
    %dma_start3A_53 = tpu.memref_slice %arg14[%dma_start3A_52] : memref<512xf32, #tpu.memory_space<vmem>> -> memref<128xf32, #tpu.memory_space<vmem>>
    %dma_start3A_54 = arith.constant 128 : i32
    %dma_start3A_55 = tpu.memref_slice %arg10[%dma_start3A_54] : memref<512xi32, #tpu.memory_space<vmem>> -> memref<128xi32, #tpu.memory_space<vmem>>
    %dma_start3A_56 = arith.constant 0 : i32
    %dma_start3A_57 = tpu.memref_slice %arg7[%dma_start3A_56] : memref<1000000xf32, #tpu.memory_space<hbm>> -> memref<1000000xf32, #tpu.memory_space<hbm>>
    tpu.enqueue_indirect_dma source(%dma_start3A_57 : memref<1000000xf32, #tpu.memory_space<hbm>>) target(%dma_start3A_53 : memref<128xf32, #tpu.memory_space<vmem>>) offsets(%dma_start3A_55 : memref<128xi32, #tpu.memory_space<vmem>>) semaphore(%arg16 : memref<!tpu.dma_semaphore, #tpu.memory_space<semaphore_mem>>)
    %dma_start3A_58 = arith.constant 256 : i32
    %dma_start3A_59 = arith.constant 0 : i32
    %dma_start3A_60 = tpu.memref_slice %arg11[%dma_start3A_58, %dma_start3A_59] : memref<512x32xf32, #tpu.memory_space<vmem>> -> memref<128x32xf32, #tpu.memory_space<vmem>>
    %dma_start3A_61 = arith.constant 256 : i32
    %dma_start3A_62 = tpu.memref_slice %arg9[%dma_start3A_61] : memref<512xi32, #tpu.memory_space<vmem>> -> memref<128xi32, #tpu.memory_space<vmem>>
    %dma_start3A_63 = arith.constant 0 : i32
    %dma_start3A_64 = arith.constant 0 : i32
    %dma_start3A_65 = tpu.memref_slice %arg4[%dma_start3A_63, %dma_start3A_64] : memref<1000000x32xf32, #tpu.memory_space<hbm>> -> memref<1000000x32xf32, #tpu.memory_space<hbm>>
    tpu.enqueue_indirect_dma source(%dma_start3A_65 : memref<1000000x32xf32, #tpu.memory_space<hbm>>) target(%dma_start3A_60 : memref<128x32xf32, #tpu.memory_space<vmem>>) offsets(%dma_start3A_62 : memref<128xi32, #tpu.memory_space<vmem>>) semaphore(%arg16 : memref<!tpu.dma_semaphore, #tpu.memory_space<semaphore_mem>>)
    %dma_start3A_66 = arith.constant 256 : i32
    %dma_start3A_67 = arith.constant 0 : i32
    %dma_start3A_68 = tpu.memref_slice %arg12[%dma_start3A_66, %dma_start3A_67] : memref<512x32xf32, #tpu.memory_space<vmem>> -> memref<128x32xf32, #tpu.memory_space<vmem>>
    %dma_start3A_69 = arith.constant 256 : i32
    %dma_start3A_70 = tpu.memref_slice %arg10[%dma_start3A_69] : memref<512xi32, #tpu.memory_space<vmem>> -> memref<128xi32, #tpu.memory_space<vmem>>
    %dma_start3A_71 = arith.constant 0 : i32
    %dma_start3A_72 = arith.constant 0 : i32
    %dma_start3A_73 = tpu.memref_slice %arg5[%dma_start3A_71, %dma_start3A_72] : memref<1000000x32xf32, #tpu.memory_space<hbm>> -> memref<1000000x32xf32, #tpu.memory_space<hbm>>
    tpu.enqueue_indirect_dma source(%dma_start3A_73 : memref<1000000x32xf32, #tpu.memory_space<hbm>>) target(%dma_start3A_68 : memref<128x32xf32, #tpu.memory_space<vmem>>) offsets(%dma_start3A_70 : memref<128xi32, #tpu.memory_space<vmem>>) semaphore(%arg16 : memref<!tpu.dma_semaphore, #tpu.memory_space<semaphore_mem>>)
    %dma_start3A_74 = arith.constant 256 : i32
    %dma_start3A_75 = tpu.memref_slice %arg13[%dma_start3A_74] : memref<512xf32, #tpu.memory_space<vmem>> -> memref<128xf32, #tpu.memory_space<vmem>>
    %dma_start3A_76 = arith.constant 256 : i32
    %dma_start3A_77 = tpu.memref_slice %arg9[%dma_start3A_76] : memref<512xi32, #tpu.memory_space<vmem>> -> memref<128xi32, #tpu.memory_space<vmem>>
    %dma_start3A_78 = arith.constant 0 : i32
    %dma_start3A_79 = tpu.memref_slice %arg6[%dma_start3A_78] : memref<1000000xf32, #tpu.memory_space<hbm>> -> memref<1000000xf32, #tpu.memory_space<hbm>>
    tpu.enqueue_indirect_dma source(%dma_start3A_79 : memref<1000000xf32, #tpu.memory_space<hbm>>) target(%dma_start3A_75 : memref<128xf32, #tpu.memory_space<vmem>>) offsets(%dma_start3A_77 : memref<128xi32, #tpu.memory_space<vmem>>) semaphore(%arg16 : memref<!tpu.dma_semaphore, #tpu.memory_space<semaphore_mem>>)
    %dma_start3A_80 = arith.constant 256 : i32
    %dma_start3A_81 = tpu.memref_slice %arg14[%dma_start3A_80] : memref<512xf32, #tpu.memory_space<vmem>> -> memref<128xf32, #tpu.memory_space<vmem>>
    %dma_start3A_82 = arith.constant 256 : i32
    %dma_start3A_83 = tpu.memref_slice %arg10[%dma_start3A_82] : memref<512xi32, #tpu.memory_space<vmem>> -> memref<128xi32, #tpu.memory_space<vmem>>
    %dma_start3A_84 = arith.constant 0 : i32
    %dma_start3A_85 = tpu.memref_slice %arg7[%dma_start3A_84] : memref<1000000xf32, #tpu.memory_space<hbm>> -> memref<1000000xf32, #tpu.memory_space<hbm>>
    tpu.enqueue_indirect_dma source(%dma_start3A_85 : memref<1000000xf32, #tpu.memory_space<hbm>>) target(%dma_start3A_81 : memref<128xf32, #tpu.memory_space<vmem>>) offsets(%dma_start3A_83 : memref<128xi32, #tpu.memory_space<vmem>>) semaphore(%arg16 : memref<!tpu.dma_semaphore, #tpu.memory_space<semaphore_mem>>)
    %dma_start3A_86 = arith.constant 384 : i32
    %dma_start3A_87 = arith.constant 0 : i32
    %dma_start3A_88 = tpu.memref_slice %arg11[%dma_start3A_86, %dma_start3A_87] : memref<512x32xf32, #tpu.memory_space<vmem>> -> memref<128x32xf32, #tpu.memory_space<vmem>>
    %dma_start3A_89 = arith.constant 384 : i32
    %dma_start3A_90 = tpu.memref_slice %arg9[%dma_start3A_89] : memref<512xi32, #tpu.memory_space<vmem>> -> memref<128xi32, #tpu.memory_space<vmem>>
    %dma_start3A_91 = arith.constant 0 : i32
    %dma_start3A_92 = arith.constant 0 : i32
    %dma_start3A_93 = tpu.memref_slice %arg4[%dma_start3A_91, %dma_start3A_92] : memref<1000000x32xf32, #tpu.memory_space<hbm>> -> memref<1000000x32xf32, #tpu.memory_space<hbm>>
    tpu.enqueue_indirect_dma source(%dma_start3A_93 : memref<1000000x32xf32, #tpu.memory_space<hbm>>) target(%dma_start3A_88 : memref<128x32xf32, #tpu.memory_space<vmem>>) offsets(%dma_start3A_90 : memref<128xi32, #tpu.memory_space<vmem>>) semaphore(%arg16 : memref<!tpu.dma_semaphore, #tpu.memory_space<semaphore_mem>>)
    %dma_start3A_94 = arith.constant 384 : i32
    %dma_start3A_95 = arith.constant 0 : i32
    %dma_start3A_96 = tpu.memref_slice %arg12[%dma_start3A_94, %dma_start3A_95] : memref<512x32xf32, #tpu.memory_space<vmem>> -> memref<128x32xf32, #tpu.memory_space<vmem>>
    %dma_start3A_97 = arith.constant 384 : i32
    %dma_start3A_98 = tpu.memref_slice %arg10[%dma_start3A_97] : memref<512xi32, #tpu.memory_space<vmem>> -> memref<128xi32, #tpu.memory_space<vmem>>
    %dma_start3A_99 = arith.constant 0 : i32
    %dma_start3A_100 = arith.constant 0 : i32
    %dma_start3A_101 = tpu.memref_slice %arg5[%dma_start3A_99, %dma_start3A_100] : memref<1000000x32xf32, #tpu.memory_space<hbm>> -> memref<1000000x32xf32, #tpu.memory_space<hbm>>
    tpu.enqueue_indirect_dma source(%dma_start3A_101 : memref<1000000x32xf32, #tpu.memory_space<hbm>>) target(%dma_start3A_96 : memref<128x32xf32, #tpu.memory_space<vmem>>) offsets(%dma_start3A_98 : memref<128xi32, #tpu.memory_space<vmem>>) semaphore(%arg16 : memref<!tpu.dma_semaphore, #tpu.memory_space<semaphore_mem>>)
    %dma_start3A_102 = arith.constant 384 : i32
    %dma_start3A_103 = tpu.memref_slice %arg13[%dma_start3A_102] : memref<512xf32, #tpu.memory_space<vmem>> -> memref<128xf32, #tpu.memory_space<vmem>>
    %dma_start3A_104 = arith.constant 384 : i32
    %dma_start3A_105 = tpu.memref_slice %arg9[%dma_start3A_104] : memref<512xi32, #tpu.memory_space<vmem>> -> memref<128xi32, #tpu.memory_space<vmem>>
    %dma_start3A_106 = arith.constant 0 : i32
    %dma_start3A_107 = tpu.memref_slice %arg6[%dma_start3A_106] : memref<1000000xf32, #tpu.memory_space<hbm>> -> memref<1000000xf32, #tpu.memory_space<hbm>>
    tpu.enqueue_indirect_dma source(%dma_start3A_107 : memref<1000000xf32, #tpu.memory_space<hbm>>) target(%dma_start3A_103 : memref<128xf32, #tpu.memory_space<vmem>>) offsets(%dma_start3A_105 : memref<128xi32, #tpu.memory_space<vmem>>) semaphore(%arg16 : memref<!tpu.dma_semaphore, #tpu.memory_space<semaphore_mem>>)
    %dma_start3A_108 = arith.constant 384 : i32
    %dma_start3A_109 = tpu.memref_slice %arg14[%dma_start3A_108] : memref<512xf32, #tpu.memory_space<vmem>> -> memref<128xf32, #tpu.memory_space<vmem>>
    %dma_start3A_110 = arith.constant 384 : i32
    %dma_start3A_111 = tpu.memref_slice %arg10[%dma_start3A_110] : memref<512xi32, #tpu.memory_space<vmem>> -> memref<128xi32, #tpu.memory_space<vmem>>
    %dma_start3A_112 = arith.constant 0 : i32
    %dma_start3A_113 = tpu.memref_slice %arg7[%dma_start3A_112] : memref<1000000xf32, #tpu.memory_space<hbm>> -> memref<1000000xf32, #tpu.memory_space<hbm>>
    tpu.enqueue_indirect_dma source(%dma_start3A_113 : memref<1000000xf32, #tpu.memory_space<hbm>>) target(%dma_start3A_109 : memref<128xf32, #tpu.memory_space<vmem>>) offsets(%dma_start3A_111 : memref<128xi32, #tpu.memory_space<vmem>>) semaphore(%arg16 : memref<!tpu.dma_semaphore, #tpu.memory_space<semaphore_mem>>)
    %dma_wait3A = arith.constant 0 : i32
    %dma_wait3A_114 = arith.constant 0 : i32
    %dma_wait3A_115 = tpu.memref_slice %arg11[%dma_wait3A, %dma_wait3A_114] : memref<512x32xf32, #tpu.memory_space<vmem>> -> memref<128x32xf32, #tpu.memory_space<vmem>>
    %dma_wait3A_116 = arith.constant 0 : i32
    %dma_wait3A_117 = tpu.memref_slice %arg9[%dma_wait3A_116] : memref<512xi32, #tpu.memory_space<vmem>> -> memref<128xi32, #tpu.memory_space<vmem>>
    %dma_wait3A_118 = arith.constant 0 : i32
    %dma_wait3A_119 = arith.constant 0 : i32
    %dma_wait3A_120 = tpu.memref_slice %arg4[%dma_wait3A_118, %dma_wait3A_119] : memref<1000000x32xf32, #tpu.memory_space<hbm>> -> memref<1000000x32xf32, #tpu.memory_space<hbm>>
    tpu.wait_indirect_dma semaphore(%arg16 : memref<!tpu.dma_semaphore, #tpu.memory_space<semaphore_mem>>) src(%dma_wait3A_120 : memref<1000000x32xf32, #tpu.memory_space<hbm>>) dst(%dma_wait3A_115 : memref<128x32xf32, #tpu.memory_space<vmem>>)
    %dma_wait3A_121 = arith.constant 0 : i32
    %dma_wait3A_122 = arith.constant 0 : i32
    %dma_wait3A_123 = tpu.memref_slice %arg12[%dma_wait3A_121, %dma_wait3A_122] : memref<512x32xf32, #tpu.memory_space<vmem>> -> memref<128x32xf32, #tpu.memory_space<vmem>>
    %dma_wait3A_124 = arith.constant 0 : i32
    %dma_wait3A_125 = tpu.memref_slice %arg10[%dma_wait3A_124] : memref<512xi32, #tpu.memory_space<vmem>> -> memref<128xi32, #tpu.memory_space<vmem>>
    %dma_wait3A_126 = arith.constant 0 : i32
    %dma_wait3A_127 = arith.constant 0 : i32
    %dma_wait3A_128 = tpu.memref_slice %arg5[%dma_wait3A_126, %dma_wait3A_127] : memref<1000000x32xf32, #tpu.memory_space<hbm>> -> memref<1000000x32xf32, #tpu.memory_space<hbm>>
    tpu.wait_indirect_dma semaphore(%arg16 : memref<!tpu.dma_semaphore, #tpu.memory_space<semaphore_mem>>) src(%dma_wait3A_128 : memref<1000000x32xf32, #tpu.memory_space<hbm>>) dst(%dma_wait3A_123 : memref<128x32xf32, #tpu.memory_space<vmem>>)
    %dma_wait3A_129 = arith.constant 0 : i32
    %dma_wait3A_130 = tpu.memref_slice %arg13[%dma_wait3A_129] : memref<512xf32, #tpu.memory_space<vmem>> -> memref<128xf32, #tpu.memory_space<vmem>>
    %dma_wait3A_131 = arith.constant 0 : i32
    %dma_wait3A_132 = tpu.memref_slice %arg9[%dma_wait3A_131] : memref<512xi32, #tpu.memory_space<vmem>> -> memref<128xi32, #tpu.memory_space<vmem>>
    %dma_wait3A_133 = arith.constant 0 : i32
    %dma_wait3A_134 = tpu.memref_slice %arg6[%dma_wait3A_133] : memref<1000000xf32, #tpu.memory_space<hbm>> -> memref<1000000xf32, #tpu.memory_space<hbm>>
    tpu.wait_indirect_dma semaphore(%arg16 : memref<!tpu.dma_semaphore, #tpu.memory_space<semaphore_mem>>) src(%dma_wait3A_134 : memref<1000000xf32, #tpu.memory_space<hbm>>) dst(%dma_wait3A_130 : memref<128xf32, #tpu.memory_space<vmem>>)
    %dma_wait3A_135 = arith.constant 0 : i32
    %dma_wait3A_136 = tpu.memref_slice %arg14[%dma_wait3A_135] : memref<512xf32, #tpu.memory_space<vmem>> -> memref<128xf32, #tpu.memory_space<vmem>>
    %dma_wait3A_137 = arith.constant 0 : i32
    %dma_wait3A_138 = tpu.memref_slice %arg10[%dma_wait3A_137] : memref<512xi32, #tpu.memory_space<vmem>> -> memref<128xi32, #tpu.memory_space<vmem>>
    %dma_wait3A_139 = arith.constant 0 : i32
    %dma_wait3A_140 = tpu.memref_slice %arg7[%dma_wait3A_139] : memref<1000000xf32, #tpu.memory_space<hbm>> -> memref<1000000xf32, #tpu.memory_space<hbm>>
    tpu.wait_indirect_dma semaphore(%arg16 : memref<!tpu.dma_semaphore, #tpu.memory_space<semaphore_mem>>) src(%dma_wait3A_140 : memref<1000000xf32, #tpu.memory_space<hbm>>) dst(%dma_wait3A_136 : memref<128xf32, #tpu.memory_space<vmem>>)
    %dma_wait3A_141 = arith.constant 128 : i32
    %dma_wait3A_142 = arith.constant 0 : i32
    %dma_wait3A_143 = tpu.memref_slice %arg11[%dma_wait3A_141, %dma_wait3A_142] : memref<512x32xf32, #tpu.memory_space<vmem>> -> memref<128x32xf32, #tpu.memory_space<vmem>>
    %dma_wait3A_144 = arith.constant 128 : i32
    %dma_wait3A_145 = tpu.memref_slice %arg9[%dma_wait3A_144] : memref<512xi32, #tpu.memory_space<vmem>> -> memref<128xi32, #tpu.memory_space<vmem>>
    %dma_wait3A_146 = arith.constant 0 : i32
    %dma_wait3A_147 = arith.constant 0 : i32
    %dma_wait3A_148 = tpu.memref_slice %arg4[%dma_wait3A_146, %dma_wait3A_147] : memref<1000000x32xf32, #tpu.memory_space<hbm>> -> memref<1000000x32xf32, #tpu.memory_space<hbm>>
    tpu.wait_indirect_dma semaphore(%arg16 : memref<!tpu.dma_semaphore, #tpu.memory_space<semaphore_mem>>) src(%dma_wait3A_148 : memref<1000000x32xf32, #tpu.memory_space<hbm>>) dst(%dma_wait3A_143 : memref<128x32xf32, #tpu.memory_space<vmem>>)
    %dma_wait3A_149 = arith.constant 128 : i32
    %dma_wait3A_150 = arith.constant 0 : i32
    %dma_wait3A_151 = tpu.memref_slice %arg12[%dma_wait3A_149, %dma_wait3A_150] : memref<512x32xf32, #tpu.memory_space<vmem>> -> memref<128x32xf32, #tpu.memory_space<vmem>>
    %dma_wait3A_152 = arith.constant 128 : i32
    %dma_wait3A_153 = tpu.memref_slice %arg10[%dma_wait3A_152] : memref<512xi32, #tpu.memory_space<vmem>> -> memref<128xi32, #tpu.memory_space<vmem>>
    %dma_wait3A_154 = arith.constant 0 : i32
    %dma_wait3A_155 = arith.constant 0 : i32
    %dma_wait3A_156 = tpu.memref_slice %arg5[%dma_wait3A_154, %dma_wait3A_155] : memref<1000000x32xf32, #tpu.memory_space<hbm>> -> memref<1000000x32xf32, #tpu.memory_space<hbm>>
    tpu.wait_indirect_dma semaphore(%arg16 : memref<!tpu.dma_semaphore, #tpu.memory_space<semaphore_mem>>) src(%dma_wait3A_156 : memref<1000000x32xf32, #tpu.memory_space<hbm>>) dst(%dma_wait3A_151 : memref<128x32xf32, #tpu.memory_space<vmem>>)
    %dma_wait3A_157 = arith.constant 128 : i32
    %dma_wait3A_158 = tpu.memref_slice %arg13[%dma_wait3A_157] : memref<512xf32, #tpu.memory_space<vmem>> -> memref<128xf32, #tpu.memory_space<vmem>>
    %dma_wait3A_159 = arith.constant 128 : i32
    %dma_wait3A_160 = tpu.memref_slice %arg9[%dma_wait3A_159] : memref<512xi32, #tpu.memory_space<vmem>> -> memref<128xi32, #tpu.memory_space<vmem>>
    %dma_wait3A_161 = arith.constant 0 : i32
    %dma_wait3A_162 = tpu.memref_slice %arg6[%dma_wait3A_161] : memref<1000000xf32, #tpu.memory_space<hbm>> -> memref<1000000xf32, #tpu.memory_space<hbm>>
    tpu.wait_indirect_dma semaphore(%arg16 : memref<!tpu.dma_semaphore, #tpu.memory_space<semaphore_mem>>) src(%dma_wait3A_162 : memref<1000000xf32, #tpu.memory_space<hbm>>) dst(%dma_wait3A_158 : memref<128xf32, #tpu.memory_space<vmem>>)
    %dma_wait3A_163 = arith.constant 128 : i32
    %dma_wait3A_164 = tpu.memref_slice %arg14[%dma_wait3A_163] : memref<512xf32, #tpu.memory_space<vmem>> -> memref<128xf32, #tpu.memory_space<vmem>>
    %dma_wait3A_165 = arith.constant 128 : i32
    %dma_wait3A_166 = tpu.memref_slice %arg10[%dma_wait3A_165] : memref<512xi32, #tpu.memory_space<vmem>> -> memref<128xi32, #tpu.memory_space<vmem>>
    %dma_wait3A_167 = arith.constant 0 : i32
    %dma_wait3A_168 = tpu.memref_slice %arg7[%dma_wait3A_167] : memref<1000000xf32, #tpu.memory_space<hbm>> -> memref<1000000xf32, #tpu.memory_space<hbm>>
    tpu.wait_indirect_dma semaphore(%arg16 : memref<!tpu.dma_semaphore, #tpu.memory_space<semaphore_mem>>) src(%dma_wait3A_168 : memref<1000000xf32, #tpu.memory_space<hbm>>) dst(%dma_wait3A_164 : memref<128xf32, #tpu.memory_space<vmem>>)
    %dma_wait3A_169 = arith.constant 256 : i32
    %dma_wait3A_170 = arith.constant 0 : i32
    %dma_wait3A_171 = tpu.memref_slice %arg11[%dma_wait3A_169, %dma_wait3A_170] : memref<512x32xf32, #tpu.memory_space<vmem>> -> memref<128x32xf32, #tpu.memory_space<vmem>>
    %dma_wait3A_172 = arith.constant 256 : i32
    %dma_wait3A_173 = tpu.memref_slice %arg9[%dma_wait3A_172] : memref<512xi32, #tpu.memory_space<vmem>> -> memref<128xi32, #tpu.memory_space<vmem>>
    %dma_wait3A_174 = arith.constant 0 : i32
    %dma_wait3A_175 = arith.constant 0 : i32
    %dma_wait3A_176 = tpu.memref_slice %arg4[%dma_wait3A_174, %dma_wait3A_175] : memref<1000000x32xf32, #tpu.memory_space<hbm>> -> memref<1000000x32xf32, #tpu.memory_space<hbm>>
    tpu.wait_indirect_dma semaphore(%arg16 : memref<!tpu.dma_semaphore, #tpu.memory_space<semaphore_mem>>) src(%dma_wait3A_176 : memref<1000000x32xf32, #tpu.memory_space<hbm>>) dst(%dma_wait3A_171 : memref<128x32xf32, #tpu.memory_space<vmem>>)
    %dma_wait3A_177 = arith.constant 256 : i32
    %dma_wait3A_178 = arith.constant 0 : i32
    %dma_wait3A_179 = tpu.memref_slice %arg12[%dma_wait3A_177, %dma_wait3A_178] : memref<512x32xf32, #tpu.memory_space<vmem>> -> memref<128x32xf32, #tpu.memory_space<vmem>>
    %dma_wait3A_180 = arith.constant 256 : i32
    %dma_wait3A_181 = tpu.memref_slice %arg10[%dma_wait3A_180] : memref<512xi32, #tpu.memory_space<vmem>> -> memref<128xi32, #tpu.memory_space<vmem>>
    %dma_wait3A_182 = arith.constant 0 : i32
    %dma_wait3A_183 = arith.constant 0 : i32
    %dma_wait3A_184 = tpu.memref_slice %arg5[%dma_wait3A_182, %dma_wait3A_183] : memref<1000000x32xf32, #tpu.memory_space<hbm>> -> memref<1000000x32xf32, #tpu.memory_space<hbm>>
    tpu.wait_indirect_dma semaphore(%arg16 : memref<!tpu.dma_semaphore, #tpu.memory_space<semaphore_mem>>) src(%dma_wait3A_184 : memref<1000000x32xf32, #tpu.memory_space<hbm>>) dst(%dma_wait3A_179 : memref<128x32xf32, #tpu.memory_space<vmem>>)
    %dma_wait3A_185 = arith.constant 256 : i32
    %dma_wait3A_186 = tpu.memref_slice %arg13[%dma_wait3A_185] : memref<512xf32, #tpu.memory_space<vmem>> -> memref<128xf32, #tpu.memory_space<vmem>>
    %dma_wait3A_187 = arith.constant 256 : i32
    %dma_wait3A_188 = tpu.memref_slice %arg9[%dma_wait3A_187] : memref<512xi32, #tpu.memory_space<vmem>> -> memref<128xi32, #tpu.memory_space<vmem>>
    %dma_wait3A_189 = arith.constant 0 : i32
    %dma_wait3A_190 = tpu.memref_slice %arg6[%dma_wait3A_189] : memref<1000000xf32, #tpu.memory_space<hbm>> -> memref<1000000xf32, #tpu.memory_space<hbm>>
    tpu.wait_indirect_dma semaphore(%arg16 : memref<!tpu.dma_semaphore, #tpu.memory_space<semaphore_mem>>) src(%dma_wait3A_190 : memref<1000000xf32, #tpu.memory_space<hbm>>) dst(%dma_wait3A_186 : memref<128xf32, #tpu.memory_space<vmem>>)
    %dma_wait3A_191 = arith.constant 256 : i32
    %dma_wait3A_192 = tpu.memref_slice %arg14[%dma_wait3A_191] : memref<512xf32, #tpu.memory_space<vmem>> -> memref<128xf32, #tpu.memory_space<vmem>>
    %dma_wait3A_193 = arith.constant 256 : i32
    %dma_wait3A_194 = tpu.memref_slice %arg10[%dma_wait3A_193] : memref<512xi32, #tpu.memory_space<vmem>> -> memref<128xi32, #tpu.memory_space<vmem>>
    %dma_wait3A_195 = arith.constant 0 : i32
    %dma_wait3A_196 = tpu.memref_slice %arg7[%dma_wait3A_195] : memref<1000000xf32, #tpu.memory_space<hbm>> -> memref<1000000xf32, #tpu.memory_space<hbm>>
    tpu.wait_indirect_dma semaphore(%arg16 : memref<!tpu.dma_semaphore, #tpu.memory_space<semaphore_mem>>) src(%dma_wait3A_196 : memref<1000000xf32, #tpu.memory_space<hbm>>) dst(%dma_wait3A_192 : memref<128xf32, #tpu.memory_space<vmem>>)
    %dma_wait3A_197 = arith.constant 384 : i32
    %dma_wait3A_198 = arith.constant 0 : i32
    %dma_wait3A_199 = tpu.memref_slice %arg11[%dma_wait3A_197, %dma_wait3A_198] : memref<512x32xf32, #tpu.memory_space<vmem>> -> memref<128x32xf32, #tpu.memory_space<vmem>>
    %dma_wait3A_200 = arith.constant 384 : i32
    %dma_wait3A_201 = tpu.memref_slice %arg9[%dma_wait3A_200] : memref<512xi32, #tpu.memory_space<vmem>> -> memref<128xi32, #tpu.memory_space<vmem>>
    %dma_wait3A_202 = arith.constant 0 : i32
    %dma_wait3A_203 = arith.constant 0 : i32
    %dma_wait3A_204 = tpu.memref_slice %arg4[%dma_wait3A_202, %dma_wait3A_203] : memref<1000000x32xf32, #tpu.memory_space<hbm>> -> memref<1000000x32xf32, #tpu.memory_space<hbm>>
    tpu.wait_indirect_dma semaphore(%arg16 : memref<!tpu.dma_semaphore, #tpu.memory_space<semaphore_mem>>) src(%dma_wait3A_204 : memref<1000000x32xf32, #tpu.memory_space<hbm>>) dst(%dma_wait3A_199 : memref<128x32xf32, #tpu.memory_space<vmem>>)
    %dma_wait3A_205 = arith.constant 384 : i32
    %dma_wait3A_206 = arith.constant 0 : i32
    %dma_wait3A_207 = tpu.memref_slice %arg12[%dma_wait3A_205, %dma_wait3A_206] : memref<512x32xf32, #tpu.memory_space<vmem>> -> memref<128x32xf32, #tpu.memory_space<vmem>>
    %dma_wait3A_208 = arith.constant 384 : i32
    %dma_wait3A_209 = tpu.memref_slice %arg10[%dma_wait3A_208] : memref<512xi32, #tpu.memory_space<vmem>> -> memref<128xi32, #tpu.memory_space<vmem>>
    %dma_wait3A_210 = arith.constant 0 : i32
    %dma_wait3A_211 = arith.constant 0 : i32
    %dma_wait3A_212 = tpu.memref_slice %arg5[%dma_wait3A_210, %dma_wait3A_211] : memref<1000000x32xf32, #tpu.memory_space<hbm>> -> memref<1000000x32xf32, #tpu.memory_space<hbm>>
    tpu.wait_indirect_dma semaphore(%arg16 : memref<!tpu.dma_semaphore, #tpu.memory_space<semaphore_mem>>) src(%dma_wait3A_212 : memref<1000000x32xf32, #tpu.memory_space<hbm>>) dst(%dma_wait3A_207 : memref<128x32xf32, #tpu.memory_space<vmem>>)
    %dma_wait3A_213 = arith.constant 384 : i32
    %dma_wait3A_214 = tpu.memref_slice %arg13[%dma_wait3A_213] : memref<512xf32, #tpu.memory_space<vmem>> -> memref<128xf32, #tpu.memory_space<vmem>>
    %dma_wait3A_215 = arith.constant 384 : i32
    %dma_wait3A_216 = tpu.memref_slice %arg9[%dma_wait3A_215] : memref<512xi32, #tpu.memory_space<vmem>> -> memref<128xi32, #tpu.memory_space<vmem>>
    %dma_wait3A_217 = arith.constant 0 : i32
    %dma_wait3A_218 = tpu.memref_slice %arg6[%dma_wait3A_217] : memref<1000000xf32, #tpu.memory_space<hbm>> -> memref<1000000xf32, #tpu.memory_space<hbm>>
    tpu.wait_indirect_dma semaphore(%arg16 : memref<!tpu.dma_semaphore, #tpu.memory_space<semaphore_mem>>) src(%dma_wait3A_218 : memref<1000000xf32, #tpu.memory_space<hbm>>) dst(%dma_wait3A_214 : memref<128xf32, #tpu.memory_space<vmem>>)
    %dma_wait3A_219 = arith.constant 384 : i32
    %dma_wait3A_220 = tpu.memref_slice %arg14[%dma_wait3A_219] : memref<512xf32, #tpu.memory_space<vmem>> -> memref<128xf32, #tpu.memory_space<vmem>>
    %dma_wait3A_221 = arith.constant 384 : i32
    %dma_wait3A_222 = tpu.memref_slice %arg10[%dma_wait3A_221] : memref<512xi32, #tpu.memory_space<vmem>> -> memref<128xi32, #tpu.memory_space<vmem>>
    %dma_wait3A_223 = arith.constant 0 : i32
    %dma_wait3A_224 = tpu.memref_slice %arg7[%dma_wait3A_223] : memref<1000000xf32, #tpu.memory_space<hbm>> -> memref<1000000xf32, #tpu.memory_space<hbm>>
    tpu.wait_indirect_dma semaphore(%arg16 : memref<!tpu.dma_semaphore, #tpu.memory_space<semaphore_mem>>) src(%dma_wait3A_224 : memref<1000000xf32, #tpu.memory_space<hbm>>) dst(%dma_wait3A_220 : memref<128xf32, #tpu.memory_space<vmem>>)
    %iota3A = tpu.iota {dimensions = array<i32: 0>} : vector<16xi32>
    %scan3A = arith.constant 0 : i32
    %scan3A_225 = arith.constant 32 : i32
    %scan3A_226 = arith.addi %scan3A, %scan3A_225 : i32
    %scan3A_227 = arith.constant 1 : i32
    scf.for %scan3A_229 = %scan3A to %scan3A_226 step %scan3A_227  : i32 {
      %mul3A_230 = arith.constant 16 : i32
      %mul3A_231 = arith.muli %scan3A_229, %mul3A_230 : i32
      %add3A_232 = vector.broadcast %mul3A_231 : i32 to vector<16xi32>
      %add3A_233 = arith.addi %add3A_232, %iota3A : vector<16xi32>
      %get3A = arith.index_cast %mul3A_231 : i32 to index
      %get3A_234 = tpu.vector_load %arg13[%get3A] {strides = array<i32>} : memref<512xf32, #tpu.memory_space<vmem>>, vector<16xf32>,
      %get3A_235 = arith.index_cast %mul3A_231 : i32 to index
      %get3A_236 = tpu.vector_load %arg14[%get3A_235] {strides = array<i32>} : memref<512xf32, #tpu.memory_space<vmem>>, vector<16xf32>,
      %add3A_237 = arith.addf %get3A_234, %get3A_236 : vector<16xf32>
      %broadcast_in_dim3A = arith.constant 0 : i32
      %broadcast_in_dim3A_238 = vector.broadcast %broadcast_in_dim3A : i32 to vector<16xi32>
      %gather3A = tpu.vector_load_idx %arg11[%add3A_233, %broadcast_in_dim3A_238] : memref<512x32xf32, #tpu.memory_space<vmem>>[vector<16xi32>, vector<16xi32>], vector<16xf32>,
      %gather3A_239 = tpu.vector_load_idx %arg12[%add3A_233, %broadcast_in_dim3A_238] : memref<512x32xf32, #tpu.memory_space<vmem>>[vector<16xi32>, vector<16xi32>], vector<16xf32>,
      %mul3A_240 = arith.mulf %gather3A, %gather3A_239 : vector<16xf32>
      %add3A_241 = arith.addf %add3A_237, %mul3A_240 : vector<16xf32>
      %broadcast_in_dim3A_242 = arith.constant 1 : i32
      %broadcast_in_dim3A_243 = vector.broadcast %broadcast_in_dim3A_242 : i32 to vector<16xi32>
      %gather3A_244 = tpu.vector_load_idx %arg11[%add3A_233, %broadcast_in_dim3A_243] : memref<512x32xf32, #tpu.memory_space<vmem>>[vector<16xi32>, vector<16xi32>], vector<16xf32>,
      %gather3A_245 = tpu.vector_load_idx %arg12[%add3A_233, %broadcast_in_dim3A_243] : memref<512x32xf32, #tpu.memory_space<vmem>>[vector<16xi32>, vector<16xi32>], vector<16xf32>,
      %mul3A_246 = arith.mulf %gather3A_244, %gather3A_245 : vector<16xf32>
      %add3A_247 = arith.addf %add3A_241, %mul3A_246 : vector<16xf32>
      %broadcast_in_dim3A_248 = arith.constant 2 : i32
      %broadcast_in_dim3A_249 = vector.broadcast %broadcast_in_dim3A_248 : i32 to vector<16xi32>
      %gather3A_250 = tpu.vector_load_idx %arg11[%add3A_233, %broadcast_in_dim3A_249] : memref<512x32xf32, #tpu.memory_space<vmem>>[vector<16xi32>, vector<16xi32>], vector<16xf32>,
      %gather3A_251 = tpu.vector_load_idx %arg12[%add3A_233, %broadcast_in_dim3A_249] : memref<512x32xf32, #tpu.memory_space<vmem>>[vector<16xi32>, vector<16xi32>], vector<16xf32>,
      %mul3A_252 = arith.mulf %gather3A_250, %gather3A_251 : vector<16xf32>
      %add3A_253 = arith.addf %add3A_247, %mul3A_252 : vector<16xf32>
      %broadcast_in_dim3A_254 = arith.constant 3 : i32
      %broadcast_in_dim3A_255 = vector.broadcast %broadcast_in_dim3A_254 : i32 to vector<16xi32>
      %gather3A_256 = tpu.vector_load_idx %arg11[%add3A_233, %broadcast_in_dim3A_255] : memref<512x32xf32, #tpu.memory_space<vmem>>[vector<16xi32>, vector<16xi32>], vector<16xf32>,
      %gather3A_257 = tpu.vector_load_idx %arg12[%add3A_233, %broadcast_in_dim3A_255] : memref<512x32xf32, #tpu.memory_space<vmem>>[vector<16xi32>, vector<16xi32>], vector<16xf32>,
      %mul3A_258 = arith.mulf %gather3A_256, %gather3A_257 : vector<16xf32>
      %add3A_259 = arith.addf %add3A_253, %mul3A_258 : vector<16xf32>
      %broadcast_in_dim3A_260 = arith.constant 4 : i32
      %broadcast_in_dim3A_261 = vector.broadcast %broadcast_in_dim3A_260 : i32 to vector<16xi32>
      %gather3A_262 = tpu.vector_load_idx %arg11[%add3A_233, %broadcast_in_dim3A_261] : memref<512x32xf32, #tpu.memory_space<vmem>>[vector<16xi32>, vector<16xi32>], vector<16xf32>,
      %gather3A_263 = tpu.vector_load_idx %arg12[%add3A_233, %broadcast_in_dim3A_261] : memref<512x32xf32, #tpu.memory_space<vmem>>[vector<16xi32>, vector<16xi32>], vector<16xf32>,
      %mul3A_264 = arith.mulf %gather3A_262, %gather3A_263 : vector<16xf32>
      %add3A_265 = arith.addf %add3A_259, %mul3A_264 : vector<16xf32>
      %broadcast_in_dim3A_266 = arith.constant 5 : i32
      %broadcast_in_dim3A_267 = vector.broadcast %broadcast_in_dim3A_266 : i32 to vector<16xi32>
      %gather3A_268 = tpu.vector_load_idx %arg11[%add3A_233, %broadcast_in_dim3A_267] : memref<512x32xf32, #tpu.memory_space<vmem>>[vector<16xi32>, vector<16xi32>], vector<16xf32>,
      %gather3A_269 = tpu.vector_load_idx %arg12[%add3A_233, %broadcast_in_dim3A_267] : memref<512x32xf32, #tpu.memory_space<vmem>>[vector<16xi32>, vector<16xi32>], vector<16xf32>,
      %mul3A_270 = arith.mulf %gather3A_268, %gather3A_269 : vector<16xf32>
      %add3A_271 = arith.addf %add3A_265, %mul3A_270 : vector<16xf32>
      %broadcast_in_dim3A_272 = arith.constant 6 : i32
      %broadcast_in_dim3A_273 = vector.broadcast %broadcast_in_dim3A_272 : i32 to vector<16xi32>
      %gather3A_274 = tpu.vector_load_idx %arg11[%add3A_233, %broadcast_in_dim3A_273] : memref<512x32xf32, #tpu.memory_space<vmem>>[vector<16xi32>, vector<16xi32>], vector<16xf32>,
      %gather3A_275 = tpu.vector_load_idx %arg12[%add3A_233, %broadcast_in_dim3A_273] : memref<512x32xf32, #tpu.memory_space<vmem>>[vector<16xi32>, vector<16xi32>], vector<16xf32>,
      %mul3A_276 = arith.mulf %gather3A_274, %gather3A_275 : vector<16xf32>
      %add3A_277 = arith.addf %add3A_271, %mul3A_276 : vector<16xf32>
      %broadcast_in_dim3A_278 = arith.constant 7 : i32
      %broadcast_in_dim3A_279 = vector.broadcast %broadcast_in_dim3A_278 : i32 to vector<16xi32>
      %gather3A_280 = tpu.vector_load_idx %arg11[%add3A_233, %broadcast_in_dim3A_279] : memref<512x32xf32, #tpu.memory_space<vmem>>[vector<16xi32>, vector<16xi32>], vector<16xf32>,
      %gather3A_281 = tpu.vector_load_idx %arg12[%add3A_233, %broadcast_in_dim3A_279] : memref<512x32xf32, #tpu.memory_space<vmem>>[vector<16xi32>, vector<16xi32>], vector<16xf32>,
      %mul3A_282 = arith.mulf %gather3A_280, %gather3A_281 : vector<16xf32>
      %add3A_283 = arith.addf %add3A_277, %mul3A_282 : vector<16xf32>
      %broadcast_in_dim3A_284 = arith.constant 8 : i32
      %broadcast_in_dim3A_285 = vector.broadcast %broadcast_in_dim3A_284 : i32 to vector<16xi32>
      %gather3A_286 = tpu.vector_load_idx %arg11[%add3A_233, %broadcast_in_dim3A_285] : memref<512x32xf32, #tpu.memory_space<vmem>>[vector<16xi32>, vector<16xi32>], vector<16xf32>,
      %gather3A_287 = tpu.vector_load_idx %arg12[%add3A_233, %broadcast_in_dim3A_285] : memref<512x32xf32, #tpu.memory_space<vmem>>[vector<16xi32>, vector<16xi32>], vector<16xf32>,
      %mul3A_288 = arith.mulf %gather3A_286, %gather3A_287 : vector<16xf32>
      %add3A_289 = arith.addf %add3A_283, %mul3A_288 : vector<16xf32>
      %broadcast_in_dim3A_290 = arith.constant 9 : i32
      %broadcast_in_dim3A_291 = vector.broadcast %broadcast_in_dim3A_290 : i32 to vector<16xi32>
      %gather3A_292 = tpu.vector_load_idx %arg11[%add3A_233, %broadcast_in_dim3A_291] : memref<512x32xf32, #tpu.memory_space<vmem>>[vector<16xi32>, vector<16xi32>], vector<16xf32>,
      %gather3A_293 = tpu.vector_load_idx %arg12[%add3A_233, %broadcast_in_dim3A_291] : memref<512x32xf32, #tpu.memory_space<vmem>>[vector<16xi32>, vector<16xi32>], vector<16xf32>,
      %mul3A_294 = arith.mulf %gather3A_292, %gather3A_293 : vector<16xf32>
      %add3A_295 = arith.addf %add3A_289, %mul3A_294 : vector<16xf32>
      %broadcast_in_dim3A_296 = arith.constant 10 : i32
      %broadcast_in_dim3A_297 = vector.broadcast %broadcast_in_dim3A_296 : i32 to vector<16xi32>
      %gather3A_298 = tpu.vector_load_idx %arg11[%add3A_233, %broadcast_in_dim3A_297] : memref<512x32xf32, #tpu.memory_space<vmem>>[vector<16xi32>, vector<16xi32>], vector<16xf32>,
      %gather3A_299 = tpu.vector_load_idx %arg12[%add3A_233, %broadcast_in_dim3A_297] : memref<512x32xf32, #tpu.memory_space<vmem>>[vector<16xi32>, vector<16xi32>], vector<16xf32>,
      %mul3A_300 = arith.mulf %gather3A_298, %gather3A_299 : vector<16xf32>
      %add3A_301 = arith.addf %add3A_295, %mul3A_300 : vector<16xf32>
      %broadcast_in_dim3A_302 = arith.constant 11 : i32
      %broadcast_in_dim3A_303 = vector.broadcast %broadcast_in_dim3A_302 : i32 to vector<16xi32>
      %gather3A_304 = tpu.vector_load_idx %arg11[%add3A_233, %broadcast_in_dim3A_303] : memref<512x32xf32, #tpu.memory_space<vmem>>[vector<16xi32>, vector<16xi32>], vector<16xf32>,
      %gather3A_305 = tpu.vector_load_idx %arg12[%add3A_233, %broadcast_in_dim3A_303] : memref<512x32xf32, #tpu.memory_space<vmem>>[vector<16xi32>, vector<16xi32>], vector<16xf32>,
      %mul3A_306 = arith.mulf %gather3A_304, %gather3A_305 : vector<16xf32>
      %add3A_307 = arith.addf %add3A_301, %mul3A_306 : vector<16xf32>
      %broadcast_in_dim3A_308 = arith.constant 12 : i32
      %broadcast_in_dim3A_309 = vector.broadcast %broadcast_in_dim3A_308 : i32 to vector<16xi32>
      %gather3A_310 = tpu.vector_load_idx %arg11[%add3A_233, %broadcast_in_dim3A_309] : memref<512x32xf32, #tpu.memory_space<vmem>>[vector<16xi32>, vector<16xi32>], vector<16xf32>,
      %gather3A_311 = tpu.vector_load_idx %arg12[%add3A_233, %broadcast_in_dim3A_309] : memref<512x32xf32, #tpu.memory_space<vmem>>[vector<16xi32>, vector<16xi32>], vector<16xf32>,
      %mul3A_312 = arith.mulf %gather3A_310, %gather3A_311 : vector<16xf32>
      %add3A_313 = arith.addf %add3A_307, %mul3A_312 : vector<16xf32>
      %broadcast_in_dim3A_314 = arith.constant 13 : i32
      %broadcast_in_dim3A_315 = vector.broadcast %broadcast_in_dim3A_314 : i32 to vector<16xi32>
      %gather3A_316 = tpu.vector_load_idx %arg11[%add3A_233, %broadcast_in_dim3A_315] : memref<512x32xf32, #tpu.memory_space<vmem>>[vector<16xi32>, vector<16xi32>], vector<16xf32>,
      %gather3A_317 = tpu.vector_load_idx %arg12[%add3A_233, %broadcast_in_dim3A_315] : memref<512x32xf32, #tpu.memory_space<vmem>>[vector<16xi32>, vector<16xi32>], vector<16xf32>,
      %mul3A_318 = arith.mulf %gather3A_316, %gather3A_317 : vector<16xf32>
      %add3A_319 = arith.addf %add3A_313, %mul3A_318 : vector<16xf32>
      %broadcast_in_dim3A_320 = arith.constant 14 : i32
      %broadcast_in_dim3A_321 = vector.broadcast %broadcast_in_dim3A_320 : i32 to vector<16xi32>
      %gather3A_322 = tpu.vector_load_idx %arg11[%add3A_233, %broadcast_in_dim3A_321] : memref<512x32xf32, #tpu.memory_space<vmem>>[vector<16xi32>, vector<16xi32>], vector<16xf32>,
      %gather3A_323 = tpu.vector_load_idx %arg12[%add3A_233, %broadcast_in_dim3A_321] : memref<512x32xf32, #tpu.memory_space<vmem>>[vector<16xi32>, vector<16xi32>], vector<16xf32>,
      %mul3A_324 = arith.mulf %gather3A_322, %gather3A_323 : vector<16xf32>
      %add3A_325 = arith.addf %add3A_319, %mul3A_324 : vector<16xf32>
      %broadcast_in_dim3A_326 = arith.constant 15 : i32
      %broadcast_in_dim3A_327 = vector.broadcast %broadcast_in_dim3A_326 : i32 to vector<16xi32>
      %gather3A_328 = tpu.vector_load_idx %arg11[%add3A_233, %broadcast_in_dim3A_327] : memref<512x32xf32, #tpu.memory_space<vmem>>[vector<16xi32>, vector<16xi32>], vector<16xf32>,
      %gather3A_329 = tpu.vector_load_idx %arg12[%add3A_233, %broadcast_in_dim3A_327] : memref<512x32xf32, #tpu.memory_space<vmem>>[vector<16xi32>, vector<16xi32>], vector<16xf32>,
      %mul3A_330 = arith.mulf %gather3A_328, %gather3A_329 : vector<16xf32>
      %add3A_331 = arith.addf %add3A_325, %mul3A_330 : vector<16xf32>
      %broadcast_in_dim3A_332 = arith.constant 16 : i32
      %broadcast_in_dim3A_333 = vector.broadcast %broadcast_in_dim3A_332 : i32 to vector<16xi32>
      %gather3A_334 = tpu.vector_load_idx %arg11[%add3A_233, %broadcast_in_dim3A_333] : memref<512x32xf32, #tpu.memory_space<vmem>>[vector<16xi32>, vector<16xi32>], vector<16xf32>,
      %gather3A_335 = tpu.vector_load_idx %arg12[%add3A_233, %broadcast_in_dim3A_333] : memref<512x32xf32, #tpu.memory_space<vmem>>[vector<16xi32>, vector<16xi32>], vector<16xf32>,
      %mul3A_336 = arith.mulf %gather3A_334, %gather3A_335 : vector<16xf32>
      %add3A_337 = arith.addf %add3A_331, %mul3A_336 : vector<16xf32>
      %broadcast_in_dim3A_338 = arith.constant 17 : i32
      %broadcast_in_dim3A_339 = vector.broadcast %broadcast_in_dim3A_338 : i32 to vector<16xi32>
      %gather3A_340 = tpu.vector_load_idx %arg11[%add3A_233, %broadcast_in_dim3A_339] : memref<512x32xf32, #tpu.memory_space<vmem>>[vector<16xi32>, vector<16xi32>], vector<16xf32>,
      %gather3A_341 = tpu.vector_load_idx %arg12[%add3A_233, %broadcast_in_dim3A_339] : memref<512x32xf32, #tpu.memory_space<vmem>>[vector<16xi32>, vector<16xi32>], vector<16xf32>,
      %mul3A_342 = arith.mulf %gather3A_340, %gather3A_341 : vector<16xf32>
      %add3A_343 = arith.addf %add3A_337, %mul3A_342 : vector<16xf32>
      %broadcast_in_dim3A_344 = arith.constant 18 : i32
      %broadcast_in_dim3A_345 = vector.broadcast %broadcast_in_dim3A_344 : i32 to vector<16xi32>
      %gather3A_346 = tpu.vector_load_idx %arg11[%add3A_233, %broadcast_in_dim3A_345] : memref<512x32xf32, #tpu.memory_space<vmem>>[vector<16xi32>, vector<16xi32>], vector<16xf32>,
      %gather3A_347 = tpu.vector_load_idx %arg12[%add3A_233, %broadcast_in_dim3A_345] : memref<512x32xf32, #tpu.memory_space<vmem>>[vector<16xi32>, vector<16xi32>], vector<16xf32>,
      %mul3A_348 = arith.mulf %gather3A_346, %gather3A_347 : vector<16xf32>
      %add3A_349 = arith.addf %add3A_343, %mul3A_348 : vector<16xf32>
      %broadcast_in_dim3A_350 = arith.constant 19 : i32
      %broadcast_in_dim3A_351 = vector.broadcast %broadcast_in_dim3A_350 : i32 to vector<16xi32>
      %gather3A_352 = tpu.vector_load_idx %arg11[%add3A_233, %broadcast_in_dim3A_351] : memref<512x32xf32, #tpu.memory_space<vmem>>[vector<16xi32>, vector<16xi32>], vector<16xf32>,
      %gather3A_353 = tpu.vector_load_idx %arg12[%add3A_233, %broadcast_in_dim3A_351] : memref<512x32xf32, #tpu.memory_space<vmem>>[vector<16xi32>, vector<16xi32>], vector<16xf32>,
      %mul3A_354 = arith.mulf %gather3A_352, %gather3A_353 : vector<16xf32>
      %add3A_355 = arith.addf %add3A_349, %mul3A_354 : vector<16xf32>
      %broadcast_in_dim3A_356 = arith.constant 20 : i32
      %broadcast_in_dim3A_357 = vector.broadcast %broadcast_in_dim3A_356 : i32 to vector<16xi32>
      %gather3A_358 = tpu.vector_load_idx %arg11[%add3A_233, %broadcast_in_dim3A_357] : memref<512x32xf32, #tpu.memory_space<vmem>>[vector<16xi32>, vector<16xi32>], vector<16xf32>,
      %gather3A_359 = tpu.vector_load_idx %arg12[%add3A_233, %broadcast_in_dim3A_357] : memref<512x32xf32, #tpu.memory_space<vmem>>[vector<16xi32>, vector<16xi32>], vector<16xf32>,
      %mul3A_360 = arith.mulf %gather3A_358, %gather3A_359 : vector<16xf32>
      %add3A_361 = arith.addf %add3A_355, %mul3A_360 : vector<16xf32>
      %broadcast_in_dim3A_362 = arith.constant 21 : i32
      %broadcast_in_dim3A_363 = vector.broadcast %broadcast_in_dim3A_362 : i32 to vector<16xi32>
      %gather3A_364 = tpu.vector_load_idx %arg11[%add3A_233, %broadcast_in_dim3A_363] : memref<512x32xf32, #tpu.memory_space<vmem>>[vector<16xi32>, vector<16xi32>], vector<16xf32>,
      %gather3A_365 = tpu.vector_load_idx %arg12[%add3A_233, %broadcast_in_dim3A_363] : memref<512x32xf32, #tpu.memory_space<vmem>>[vector<16xi32>, vector<16xi32>], vector<16xf32>,
      %mul3A_366 = arith.mulf %gather3A_364, %gather3A_365 : vector<16xf32>
      %add3A_367 = arith.addf %add3A_361, %mul3A_366 : vector<16xf32>
      %broadcast_in_dim3A_368 = arith.constant 22 : i32
      %broadcast_in_dim3A_369 = vector.broadcast %broadcast_in_dim3A_368 : i32 to vector<16xi32>
      %gather3A_370 = tpu.vector_load_idx %arg11[%add3A_233, %broadcast_in_dim3A_369] : memref<512x32xf32, #tpu.memory_space<vmem>>[vector<16xi32>, vector<16xi32>], vector<16xf32>,
      %gather3A_371 = tpu.vector_load_idx %arg12[%add3A_233, %broadcast_in_dim3A_369] : memref<512x32xf32, #tpu.memory_space<vmem>>[vector<16xi32>, vector<16xi32>], vector<16xf32>,
      %mul3A_372 = arith.mulf %gather3A_370, %gather3A_371 : vector<16xf32>
      %add3A_373 = arith.addf %add3A_367, %mul3A_372 : vector<16xf32>
      %broadcast_in_dim3A_374 = arith.constant 23 : i32
      %broadcast_in_dim3A_375 = vector.broadcast %broadcast_in_dim3A_374 : i32 to vector<16xi32>
      %gather3A_376 = tpu.vector_load_idx %arg11[%add3A_233, %broadcast_in_dim3A_375] : memref<512x32xf32, #tpu.memory_space<vmem>>[vector<16xi32>, vector<16xi32>], vector<16xf32>,
      %gather3A_377 = tpu.vector_load_idx %arg12[%add3A_233, %broadcast_in_dim3A_375] : memref<512x32xf32, #tpu.memory_space<vmem>>[vector<16xi32>, vector<16xi32>], vector<16xf32>,
      %mul3A_378 = arith.mulf %gather3A_376, %gather3A_377 : vector<16xf32>
      %add3A_379 = arith.addf %add3A_373, %mul3A_378 : vector<16xf32>
      %broadcast_in_dim3A_380 = arith.constant 24 : i32
      %broadcast_in_dim3A_381 = vector.broadcast %broadcast_in_dim3A_380 : i32 to vector<16xi32>
      %gather3A_382 = tpu.vector_load_idx %arg11[%add3A_233, %broadcast_in_dim3A_381] : memref<512x32xf32, #tpu.memory_space<vmem>>[vector<16xi32>, vector<16xi32>], vector<16xf32>,
      %gather3A_383 = tpu.vector_load_idx %arg12[%add3A_233, %broadcast_in_dim3A_381] : memref<512x32xf32, #tpu.memory_space<vmem>>[vector<16xi32>, vector<16xi32>], vector<16xf32>,
      %mul3A_384 = arith.mulf %gather3A_382, %gather3A_383 : vector<16xf32>
      %add3A_385 = arith.addf %add3A_379, %mul3A_384 : vector<16xf32>
      %broadcast_in_dim3A_386 = arith.constant 25 : i32
      %broadcast_in_dim3A_387 = vector.broadcast %broadcast_in_dim3A_386 : i32 to vector<16xi32>
      %gather3A_388 = tpu.vector_load_idx %arg11[%add3A_233, %broadcast_in_dim3A_387] : memref<512x32xf32, #tpu.memory_space<vmem>>[vector<16xi32>, vector<16xi32>], vector<16xf32>,
      %gather3A_389 = tpu.vector_load_idx %arg12[%add3A_233, %broadcast_in_dim3A_387] : memref<512x32xf32, #tpu.memory_space<vmem>>[vector<16xi32>, vector<16xi32>], vector<16xf32>,
      %mul3A_390 = arith.mulf %gather3A_388, %gather3A_389 : vector<16xf32>
      %add3A_391 = arith.addf %add3A_385, %mul3A_390 : vector<16xf32>
      %broadcast_in_dim3A_392 = arith.constant 26 : i32
      %broadcast_in_dim3A_393 = vector.broadcast %broadcast_in_dim3A_392 : i32 to vector<16xi32>
      %gather3A_394 = tpu.vector_load_idx %arg11[%add3A_233, %broadcast_in_dim3A_393] : memref<512x32xf32, #tpu.memory_space<vmem>>[vector<16xi32>, vector<16xi32>], vector<16xf32>,
      %gather3A_395 = tpu.vector_load_idx %arg12[%add3A_233, %broadcast_in_dim3A_393] : memref<512x32xf32, #tpu.memory_space<vmem>>[vector<16xi32>, vector<16xi32>], vector<16xf32>,
      %mul3A_396 = arith.mulf %gather3A_394, %gather3A_395 : vector<16xf32>
      %add3A_397 = arith.addf %add3A_391, %mul3A_396 : vector<16xf32>
      %broadcast_in_dim3A_398 = arith.constant 27 : i32
      %broadcast_in_dim3A_399 = vector.broadcast %broadcast_in_dim3A_398 : i32 to vector<16xi32>
      %gather3A_400 = tpu.vector_load_idx %arg11[%add3A_233, %broadcast_in_dim3A_399] : memref<512x32xf32, #tpu.memory_space<vmem>>[vector<16xi32>, vector<16xi32>], vector<16xf32>,
      %gather3A_401 = tpu.vector_load_idx %arg12[%add3A_233, %broadcast_in_dim3A_399] : memref<512x32xf32, #tpu.memory_space<vmem>>[vector<16xi32>, vector<16xi32>], vector<16xf32>,
      %mul3A_402 = arith.mulf %gather3A_400, %gather3A_401 : vector<16xf32>
      %add3A_403 = arith.addf %add3A_397, %mul3A_402 : vector<16xf32>
      %broadcast_in_dim3A_404 = arith.constant 28 : i32
      %broadcast_in_dim3A_405 = vector.broadcast %broadcast_in_dim3A_404 : i32 to vector<16xi32>
      %gather3A_406 = tpu.vector_load_idx %arg11[%add3A_233, %broadcast_in_dim3A_405] : memref<512x32xf32, #tpu.memory_space<vmem>>[vector<16xi32>, vector<16xi32>], vector<16xf32>,
      %gather3A_407 = tpu.vector_load_idx %arg12[%add3A_233, %broadcast_in_dim3A_405] : memref<512x32xf32, #tpu.memory_space<vmem>>[vector<16xi32>, vector<16xi32>], vector<16xf32>,
      %mul3A_408 = arith.mulf %gather3A_406, %gather3A_407 : vector<16xf32>
      %add3A_409 = arith.addf %add3A_403, %mul3A_408 : vector<16xf32>
      %broadcast_in_dim3A_410 = arith.constant 29 : i32
      %broadcast_in_dim3A_411 = vector.broadcast %broadcast_in_dim3A_410 : i32 to vector<16xi32>
      %gather3A_412 = tpu.vector_load_idx %arg11[%add3A_233, %broadcast_in_dim3A_411] : memref<512x32xf32, #tpu.memory_space<vmem>>[vector<16xi32>, vector<16xi32>], vector<16xf32>,
      %gather3A_413 = tpu.vector_load_idx %arg12[%add3A_233, %broadcast_in_dim3A_411] : memref<512x32xf32, #tpu.memory_space<vmem>>[vector<16xi32>, vector<16xi32>], vector<16xf32>,
      %mul3A_414 = arith.mulf %gather3A_412, %gather3A_413 : vector<16xf32>
      %add3A_415 = arith.addf %add3A_409, %mul3A_414 : vector<16xf32>
      %broadcast_in_dim3A_416 = arith.constant 30 : i32
      %broadcast_in_dim3A_417 = vector.broadcast %broadcast_in_dim3A_416 : i32 to vector<16xi32>
      %gather3A_418 = tpu.vector_load_idx %arg11[%add3A_233, %broadcast_in_dim3A_417] : memref<512x32xf32, #tpu.memory_space<vmem>>[vector<16xi32>, vector<16xi32>], vector<16xf32>,
      %gather3A_419 = tpu.vector_load_idx %arg12[%add3A_233, %broadcast_in_dim3A_417] : memref<512x32xf32, #tpu.memory_space<vmem>>[vector<16xi32>, vector<16xi32>], vector<16xf32>,
      %mul3A_420 = arith.mulf %gather3A_418, %gather3A_419 : vector<16xf32>
      %add3A_421 = arith.addf %add3A_415, %mul3A_420 : vector<16xf32>
      %broadcast_in_dim3A_422 = arith.constant 31 : i32
      %broadcast_in_dim3A_423 = vector.broadcast %broadcast_in_dim3A_422 : i32 to vector<16xi32>
      %gather3A_424 = tpu.vector_load_idx %arg11[%add3A_233, %broadcast_in_dim3A_423] : memref<512x32xf32, #tpu.memory_space<vmem>>[vector<16xi32>, vector<16xi32>], vector<16xf32>,
      %gather3A_425 = tpu.vector_load_idx %arg12[%add3A_233, %broadcast_in_dim3A_423] : memref<512x32xf32, #tpu.memory_space<vmem>>[vector<16xi32>, vector<16xi32>], vector<16xf32>,
      %mul3A_426 = arith.mulf %gather3A_424, %gather3A_425 : vector<16xf32>
      %add3A_427 = arith.addf %add3A_421, %mul3A_426 : vector<16xf32>
      %neg3A = arith.constant 0.000000e+00 : f32
      %neg3A_428 = vector.broadcast %neg3A : f32 to vector<16xf32>
      %neg3A_429 = arith.subf %neg3A_428, %add3A_427 : vector<16xf32>
      %exp3A = math.exp %neg3A_429 : vector<16xf32>
      %add3A_430 = arith.constant 1.000000e+00 : f32
      %add3A_431 = vector.broadcast %add3A_430 : f32 to vector<16xf32>
      %add3A_432 = arith.addf %add3A_431, %exp3A : vector<16xf32>
      %div3A = arith.constant 4.000000e+00 : f32
      %div3A_433 = vector.broadcast %div3A : f32 to vector<16xf32>
      %div3A_434 = arith.divf %div3A_433, %add3A_432 : vector<16xf32>
      %add3A_435 = arith.constant 1.000000e+00 : f32
      %add3A_436 = vector.broadcast %add3A_435 : f32 to vector<16xf32>
      %add3A_437 = arith.addf %div3A_434, %add3A_436 : vector<16xf32>
      %swap3A = arith.index_cast %mul3A_231 : i32 to index
      %swap3A_438 = tpu.vector_load %arg15[%swap3A] {strides = array<i32>} : memref<512xf32, #tpu.memory_space<vmem>>, vector<16xf32>,
      tpu.vector_store %arg15[%swap3A], %add3A_437 {strides = array<i32>} : memref<512xf32, #tpu.memory_space<vmem>>, vector<16xf32>,
    }
    %scan3A_228 = arith.constant 32 : i32
    "tpu.region"() ({
      %run_scoped3A = tpu.sem_alloc : memref<!tpu.dma_semaphore, #tpu.memory_space<semaphore_mem>>
      %dma_start3A_229 = tpu.memref_slice %arg8[%mul3A_2] : memref<16384xf32, #tpu.memory_space<hbm>> -> memref<512xf32, #tpu.memory_space<hbm>>
      %dma_start3A_230 = tpu.memref_slice %arg8[%mul3A_2] : memref<16384xf32, #tpu.memory_space<hbm>> -> memref<512xf32, #tpu.memory_space<hbm>>
      tpu.enqueue_dma source(%arg15 : memref<512xf32, #tpu.memory_space<vmem>>) target(%dma_start3A_230 : memref<512xf32, #tpu.memory_space<hbm>>) target_semaphore(%run_scoped3A : memref<!tpu.dma_semaphore, #tpu.memory_space<semaphore_mem>>)
      %dma_wait3A_231 = tpu.memref_slice %arg8[%mul3A_2] : memref<16384xf32, #tpu.memory_space<hbm>> -> memref<512xf32, #tpu.memory_space<hbm>>
      %dma_wait3A_232 = tpu.memref_slice %arg8[%mul3A_2] : memref<16384xf32, #tpu.memory_space<hbm>> -> memref<512xf32, #tpu.memory_space<hbm>>
      tpu.wait_dma2 semaphore(%run_scoped3A : memref<!tpu.dma_semaphore, #tpu.memory_space<semaphore_mem>>) src(%arg15 : memref<512xf32, #tpu.memory_space<vmem>>) dst(%dma_wait3A_232 : memref<512xf32, #tpu.memory_space<hbm>>)
      tpu.yield
    }) : () -> ()
    return
  }
}

</mosaic_0001>

<sc_bundles>
// kernel: _mf_call.3.cloned.1.call-start
scs
__scs_entry_jumppad:
0x0: {  	(pc) =	sbr.rel $0x88, $3  }
0x1: {  	(tag) =	ssettag $0x0;
	lr =	simm.s32 $0x1  }
0x2: {  	[smem:$0x3F9B] =	sst lr;
	_ =	strace $0xD0000000  }
0x3: {  	_ = 	snop  }
0x4: {  	_ = 	snop  }
0x5: {  	_ = 	snop  }
0x6: {  	_ = 	snop  }
0x7: {  	_ = 	snop  }
__scs_overlays_trampoline_lowered:
0x8: {  	[smem:$0x3FAA] =	sst s0  }
0x9: {  	[smem:$0x3FAB] =	sst s1  }
0xa: {  	[smem:$0x3FAC] =	sst s2  }
0xb: {  	[smem:$0x3FAD] =	sst s3  }
0xc: {  	[smem:$0x3FAE] =	sst s4  }
0xd: {  	[smem:$0x3FAF] =	sst s5  }
0xe: {  	[smem:$0x3FB0] =	sst s6  }
0xf: {  	[smem:$0x3FB1] =	sst s7  }
0x10: {  	[smem:$0x3FB2] =	sst s8  }
0x11: {  	[smem:$0x3FB3] =	sst s9;
	s0 =	simm.s32 @!p0 $0x0  }
0x12: {  	s1 =	sld [smem:$0x3F99];
	s0 =	simm.s32 @p0 $0x1  }
0x13: {  	[smem:$0x3FB4] =	sst s0;
	s0 =	simm.s32 @!p1 $0x0  }
0x14: {  	s2 =	sld [smem:$0x3F98];
	s0 =	simm.s32 @p1 $0x1  }
0x15: {  	[smem:$0x3FB5] =	sst s0;
	s0 =	simm.s32 @!p2 $0x0  }
0x16: {  	s3 =	sld [smem:$0x3FDB];
	s0 =	simm.s32 @p2 $0x1  }
0x17: {  	s4 =	simm.s32 $0x1BF5;
	[smem:$0x3FB7] =	sst s0  }
0x18: {  	s0 =	sld [smem:$0x3F9A];
	_ =	swait.ge [sflag:s4], $0x0  }
0x19: {  	s7 =	sld [smem:$0x3F9B]  }
0x1a: {  	s8 =	sadd.s32 $0xFFFFE003, lr  }
0x1b: {  	s9 =	sadd.s32 $0xFFFFFEF7, lr;
	s5 =	simm.s32 $0xFFFFFFFF;
	p2 =	slt.u32 s8, $0xFFFFF086  }
0x1c: {  	p1 =	slt.u32 s9, $0xF7A;
	s5 =	simm.s32 @!p2 $0x0  }
0x1d: {  	s5 =	simm.s32 @p1 $0x1;
	p0 =	seq.s32 s7, s2  }
0x1e: {  	s7 =	smul.u32 @!p0 $0xF7A, s2;
	p2 =	seq.s32 @!p0 s5, $0x0  }
0x1f: {  	s9 =	smul.u32 $0xF7A, s1;
	s8 =	simm.s32 @!p0 $0x1BF5;
	p2 =	por !p2, p0  }
0x20: {  	[sflag:s8] =	ssyncset.s32 @!p0 $0xFFFFF086;
	s6 =	sadd.s32 @!p0 s3, s7;
	s7 =	simm.s32 @!p0 $0x108  }
0x21: {  	s3 =	sadd.s32 s3, s9;
	s6 =	sadd.s32 @!p0 $0x88, s6;
	s7 =	simm.s32 @p2 $0x1082  }
0x22: {  	[simem:s7], [sflag:s8] =	dma.local @!p0 [hbm:s6], $0xF7A  }
0x23: {  	s9 =	sor.u32 $0xD0000000, s2;
	s6 =	simm.s32 $0x108;
	_ =	swait.ge @!p0 [sflag:s8], $0x0  }
0x24: {  	s3 =	sadd.s32 $0x88, s3;
	s6 =	simm.s32 @!p1 $0x1082;
	[sflag:s4] =	ssyncset.s32 $0xFFFFF086  }
0x25: {  	[simem:s6], [sflag:s4] =	dma.local [hbm:s3], $0xF7A  }
0x26: {  	[smem:$0x3F9B] =	sst s1;
	(tag) =	ssettag s2;
	_ =	strace s9  }
0x27: {  	s1 =	sld [smem:$0x3FAB]  }
0x28: {  	s2 =	sld [smem:$0x3FAC]  }
0x29: {  	s4 =	sld [smem:$0x3FAE]  }
0x2a: {  	p0 =	seq.s32 s5, $0x0;
	s5 =	sld [smem:$0x3FAF]  }
0x2b: {  	s6 =	sld [smem:$0x3FB0]  }
0x2c: {  	s7 =	sld [smem:$0x3FB1]  }
0x2d: {  	s3 =	simm.s32 $0x108;
	s8 =	sld [smem:$0x3FB2]  }
0x2e: {  	s3 =	simm.s32 @!p0 $0x1082;
	s9 =	sld [smem:$0x3FB3]  }
0x2f: {  	lr =	sadd.s32 s0, s3;
	s0 =	sld [smem:$0x3FAA]  }
0x30: {  	s3 =	sld [smem:$0x3FAD]  }
0x31: {  	[smem:$0x3FB6] =	sst s10  }
0x32: {  	s10 =	sld [smem:$0x3FB4];
	_ =	sdelay $0x3  }
0x33: {  	p0 =	seq.s32 s10, $0x1;
	s10 =	sld [smem:$0x3FB6];
	_ =	sdelay $0x3  }
0x34: {  	[smem:$0x3FB6] =	sst s10  }
0x35: {  	s10 =	sld [smem:$0x3FB5];
	_ =	sdelay $0x3  }
0x36: {  	p1 =	seq.s32 s10, $0x1;
	s10 =	sld [smem:$0x3FB6];
	_ =	sdelay $0x3  }
0x37: {  	[smem:$0x3FB6] =	sst s10  }
0x38: {  	s10 =	sld [smem:$0x3FB7]  }
0x39: {  	_ = 	snop;
	(pc) =	sbr.ind lr, $3  }
0x3a: {  	_ = 	snop  }
0x3b: {  	_ = 	snop  }
0x3c: {  	p2 =	seq.s32 s10, $0x1;
	s10 =	sld [smem:$0x3FB6]  }
0x3d: {  	_ =	shalt  }
0x3e: {  	_ =	shalt  }
0x3f: {  	_ =	shalt  }
0x40: {  	_ =	shalt  }
0x41: {  	_ =	shalt  }
0x42: {  	_ =	shalt  }
0x43: {  	_ =	shalt  }
0x44: {  	_ =	shalt  }
0x45: {  	_ =	shalt  }
0x46: {  	_ =	shalt  }
0x47: {  	_ =	shalt  }
0x48: {  	_ =	shalt  }
0x49: {  	_ =	shalt  }
0x4a: {  	_ =	shalt  }
0x4b: {  	_ =	shalt  }
0x4c: {  	_ =	shalt  }
0x4d: {  	_ =	shalt  }
0x4e: {  	_ =	shalt  }
0x4f: {  	_ =	shalt  }
0x50: {  	_ =	shalt  }
0x51: {  	_ =	shalt  }
0x52: {  	_ =	shalt  }
0x53: {  	_ =	shalt  }
0x54: {  	_ =	shalt  }
0x55: {  	_ =	shalt  }
0x56: {  	_ =	shalt  }
0x57: {  	_ =	shalt  }
0x58: {  	_ =	shalt  }
0x59: {  	_ =	shalt  }
0x5a: {  	_ =	shalt  }
0x5b: {  	_ =	shalt  }
0x5c: {  	_ =	shalt  }
0x5d: {  	_ =	shalt  }
0x5e: {  	_ =	shalt  }
0x5f: {  	_ =	shalt  }
0x60: {  	_ =	shalt  }
0x61: {  	_ =	shalt  }
0x62: {  	_ =	shalt  }
0x63: {  	_ =	shalt  }
0x64: {  	_ =	shalt  }
0x65: {  	_ =	shalt  }
0x66: {  	_ =	shalt  }
0x67: {  	_ =	shalt  }
0x68: {  	_ =	shalt  }
0x69: {  	_ =	shalt  }
0x6a: {  	_ =	shalt  }
0x6b: {  	_ =	shalt  }
0x6c: {  	_ =	shalt  }
0x6d: {  	_ =	shalt  }
0x6e: {  	_ =	shalt  }
0x6f: {  	_ =	shalt  }
0x70: {  	_ =	shalt  }
0x71: {  	_ =	shalt  }
0x72: {  	_ =	shalt  }
0x73: {  	_ =	shalt  }
0x74: {  	_ =	shalt  }
0x75: {  	_ =	shalt  }
0x76: {  	_ =	shalt  }
0x77: {  	_ =	shalt  }
0x78: {  	_ =	shalt  }
0x79: {  	_ =	shalt  }
0x7a: {  	_ =	shalt  }
0x7b: {  	_ =	shalt  }
0x7c: {  	_ =	shalt  }
0x7d: {  	_ =	shalt  }
0x7e: {  	_ =	shalt  }
0x7f: {  	_ =	shalt  }
0x80: {  	_ =	shalt  }
0x81: {  	_ =	shalt  }
0x82: {  	_ =	shalt  }
0x83: {  	_ =	shalt  }
0x84: {  	_ =	shalt  }
0x85: {  	_ =	shalt  }
0x86: {  	_ =	shalt  }
0x87: {  	_ =	shalt  }
.Lfunc_end0:
.L_simem_size_0:
called_computation_lowered:
.L_overlay_start_0:
0x88: {  	s2 =	sld [smem:$0x3FD9]  }
0x89: {  	s3 =	sld [smem:$0x3FFE];
	_ =	sdelay $0x1  }
0x8a: {  	s1 =	srdreg.scid  }
0x8b: {  	s0 =	sand.u32 $0x1, s1  }
0x8c: {  	s17 =	sshll.u32 s0, $0xA;
	s2 =	sadd.s32 s3, s2  }
0x8d: {  	s2 =	sadd.s32 s2, s17  }
0x8e: {  	[smem:$0x3FC2] =	sst s2  }
0x8f: {  	_ = 	snop  }
0x90: {  	s2 =	sld [smem:$0x3FC9]  }
0x91: {  	s18 =	sld [smem:$0x3FC8]  }
0x92: {  	s4 =	sld [smem:$0x3FC5]  }
0x93: {  	s5 =	sld [smem:$0x3FC4]  }
0x94: {  	s6 =	sld [smem:$0x3FD0];
	(tm) =	ssettm $0x1  }
0x95: {  	s7 =	sld [smem:$0x3FFB];
	_ =	sdelay $0x3  }
0x96: {  	_ =	strace s7  }
0x97: {  	s7 =	sld [smem:$0x3FFC];
	_ =	sdelay $0x3  }
0x98: {  	_ =	strace s7  }
0x99: {  	s7 =	sld [smem:$0x3FFD];
	_ =	sdelay $0x3  }
0x9a: {  	_ =	strace s7  }
0x9b: {  	_ =	strace $0x8FFFFFFF  }
0x9c: {  	s19 =	sld [smem:$0x3FDB];
	_ =	sdelay $0x1  }
0x9d: {  	s8 =	simm.s32 $_scs_section_size  }
0x9e: {  	s9 =	simm.s32 $_size__tile_overlayer_lowered;
	s10 =	simm.s32 $_tile_overlayer_lowered  }
0x9f: {  	s22 =	simm.s32 $0x1BFF;
	s21 =	sshll.u32 s10, $0x1;
	s7 =	sadd.s32 s8, s19  }
0xa0: {  	s11 =	simm.s32 $0x0;
	s20 =	sshll.u32 s9, $0x1;
	s9 =	sadd.s32 s21, s7  }
0xa1: {  	[timem:s11], [sflag:s22] =	dma.local [hbm:s9], s20  }
0xa2: {  	_ =	swait.ge [sflag:s22], s20  }
0xa3: {  	s8 =	ssub.s32 $0x0, s20;
	[sflag:s22] =	ssyncset.done $0x0  }
0xa4: {  	[sflag:s22] =	ssyncadd.s32 s8;
	_ =	sdelay $0x1  }
0xa5: {  	s23 =	simm.s32 $0x1B8B  }
0xa6: {  	_ =	swait.ge [sflag:s23], $0x1  }
0xa7: {  	[sflag:s23] =	ssyncset.done $0x0  }
0xa8: {  	s25 =	simm.s32 $0x1B8E;
	s24 =	sld [smem:$0x3FFE];
	[sflag:s23] =	ssyncadd.s32 $0xFFFFFFFF  }
0xa9: {  	s26 =	simm.s32 $execute0_lowered;
	[smem:$0x3FD2] =	sst s25  }
0xaa: {  	s9 =	sshll.u32 s26, $0x1;
	_ =	strace $0x80000046;
	[dreg:$0x1] =	wrdreg $0xFFFFFFFF  }
0xab: {  	s28 =	simm.s32 $_size_execute0_lowered;
	s7 =	sadd.s32 s7, s9;
	[dreg:$0x0] =	wrdreg $0x0  }
0xac: {  	s9 =	sshll.u32 s28, $0x1;
	[dreg:$0x2] =	wrdreg s7  }
0xad: {  	[dreg:$0x3] =	wrdreg s9  }
0xae: {  	[dreg:$0x4] =	wrdreg $0xC0  }
0xaf: {  	_ =	task [dreg:s11], $0x5FFFF  }
0xb0: {  	[dreg:$0x1] =	wrdreg $0xFFFFFFFF  }
0xb1: {  	[dreg:$0x0] =	wrdreg $0x60  }
0xb2: {  	[dreg:$0x2] =	wrdreg s2  }
0xb3: {  	[dreg:$0x3] =	wrdreg s18  }
0xb4: {  	[dreg:$0x4] =	wrdreg s24  }
0xb5: {  	[dreg:$0x5] =	wrdreg s4  }
0xb6: {  	[dreg:$0x6] =	wrdreg s5  }
0xb7: {  	[dreg:$0x7] =	wrdreg s6  }
0xb8: {  	[dreg:$0x8] =	wrdreg $0x9  }
0xb9: {  	_ =	task.clear_ibuf [dreg:s11], $0x9FFFF;
	_ =	strace $0x90000046  }
0xba: {  	s29 =	simm.s32 $0x9;
	_ =	strace $0x80000048  }
0xbb: {  	_ =	swait.ge [sflag:s29], $0x1  }
0xbc: {  	[sflag:s29] =	ssyncadd.s32 $0xFFFFFFFF  }
0xbd: {  	_ =	strace $0x90000048  }
0xbe: {  	_ =	sfence  }
0xbf: {  	s30 =	sld [smem:$0x0];
	_ =	sdelay $0x2  }
0xc0: {  	s31 =	sshll.u32 s1, $0xD;
	s1 =	sshrl.u32 s1, $0x2  }
0xc1: {  	s3 =	sand.u32 $0x4000, s31;
	s1 =	sadd.s32 s1, s30  }
0xc2: {  	s0 =	sor.u32 s3, s0;
	s1 =	sshll.u32 s1, $0x11  }
0xc3: {  	s0 =	sor.u32 s1, s0  }
0xc4: {  	s0 =	sadd.s32 $0x8F2B, s0  }
0xc5: {  	[sflag:s0] =	ssyncadd.remote.s32 $0x1  }
0xc6: {  	_ =	sfence.sel $0xFFFF  }
0xc7: {  	[dreg:$0x0] =	wrdreg $0xFFFFFFFF;
	(pc) =	sbr.abs _section_cstart, $3  }
0xc8: {  	[dreg:$0x1] =	wrdreg $0xFFFFFFFF  }
0xc9: {  	_ =	task.clear_ibuf [dreg:s11], $0x2FFFF;
	_ =	strace $0x9FFFFFFF  }
0xca: {  	(tm) =	ssettm $0x7FFFFFFF  }
0xcb: {  	_ =	shalt  }
tec
execute0_lowered:
.L_overlay_start_1:
0x0: {  	(tag) =	ssettag $0x1  }
0x1: {  	s0 =	rddreg [dreg:$0x0]  }
0x2: {  	s4 =	rddreg [dreg:$0x1]  }
0x3: {  	s6 =	rddreg [dreg:$0x2]  }
0x4: {  	s1 =	rddreg [dreg:$0x3]  }
0x5: {  	s2 =	rddreg [dreg:$0x4]  }
0x6: {  	s9 =	rddreg [dreg:$0x5]  }
0x7: {  	s3 =	simm.s32 $0x0;
	s7 =	srdreg.scid;
	s10 =	stileid.u32  }
0x8: {  	s12 =	simm.s32 $0x200;
	s13 =	simm.s32 $0x80;
	s14 =	simm.s32 $0x400  }
0x9: {  	s15 =	simm.s32 $0x4400;
	s17 =	simm.s32 $0x280;
	s21 =	simm.s32 $0x100  }
0xa: {  	s23 =	simm.s32 $0x300;
	s26 =	simm.s32 $0x8700;
	s28 =	simm.s32 $0x180  }
0xb: {  	s29 =	simm.s32 $0x3400;
	s30 =	simm.s32 $0x380;
	s31 =	simm.s32 $0x7400  }
0xc: {  	s16 =	simm.s32 $0x1;
	s18 =	simm.s32 $0x8800;
	s19 =	simm.s32 $0x0  }
0xd: {  	[smem:$0x7FF] =	sst s3;
	s5 =	sadd.s32 $0xF42800, s6;
	s7 =	sand.u32 $0x1, s7  }
0xe: {  	s10 =	sshll.u32 s10, $0x7;
	s8 =	ssub.s32 $0x2, s7;
	s7 =	sshll.u32 s7, $0x6  }
0xf: {  	s6 =	sadd.s32 $0x1313200, s6;
	s11 =	sshrl.u32 s8, $0x1;
	s10 =	sor.u32 s7, s10  }
0x10: {  	_ =	strace $0x80000047;
	s11 =	ssub.s32 s8, s11;
	s7 =	sadd.s32 s0, s10  }
0x11: {  	v0 =	vlaneseq.u32;
	s8 =	sadd.s32 s4, s10;
	s9 =	sadd.s32 s9, s10;
	s0 =	simm.s32 $0x8580  }
0x12: {  	v0 =	vmul.u32 $0x20, v0;
	s4 =	simm.s32 $0x8780;
	s10 =	smax.u32 s11, $0x1;
	s11 =	simm.s32 $0x2  }
.LBB2_1:
0x13: {  	[tilespmem:s3], [sflag:$0x2] =	stream.linear.gather [hbm4b:s7+s3], $0x200, $0x38;
	[tilespmem:$0x8A00] =	vst v63  }
0x14: {  	_ =	swait.ge [sflag:s11], $0x200  }
0x15: {  	[sflag:s11] =	ssyncset.done $0x0  }
0x16: {  	[sflag:s11] =	ssyncadd.s32 $0xFFFFFE00  }
0x17: {  	[tilespmem:s12], [sflag:$0x2] =	stream.linear.gather [hbm4b:s8+s3], $0x200, $0x38;
	[tilespmem:$0x8A00] =	vst v63  }
0x18: {  	_ =	swait.ge [sflag:s11], $0x200  }
0x19: {  	[sflag:s11] =	ssyncset.done $0x0  }
0x1a: {  	[sflag:s11] =	ssyncadd.s32 $0xFFFFFE00  }
0x1b: {  	[tilespmem:s14], [sflag:$0x1] =	stream.indirect.gather [hbm4b:s5+s13], $0x20, s3, s13, $0xb8;
	[tilespmem:$0x8A00] =	vst v63  }
0x1c: {  	_ = 	snop  }
0x1d: {  	[tilespmem:s15], [sflag:$0x1] =	stream.indirect.gather [hbm4b:s6+s13], $0x20, s12, s13, $0xb8;
	[tilespmem:$0x8A00] =	vst v63  }
0x1e: {  	s20 =	simm.s32 $0x8400  }
0x1f: {  	[tilespmem:s20], [sflag:$0x1] =	stream.indirect.gather [hbm4b:s1+s13], $0x1, s3, s13, $0xb8;
	[tilespmem:$0x8A00] =	vst v63  }
0x20: {  	s22 =	simm.s32 $0x8600  }
0x21: {  	[tilespmem:s22], [sflag:$0x1] =	stream.indirect.gather [hbm4b:s2+s13], $0x1, s12, s13, $0xb8;
	[tilespmem:$0x8A00] =	vst v63  }
0x22: {  	s24 =	simm.s32 $0x1400  }
0x23: {  	[tilespmem:s24], [sflag:$0x1] =	stream.indirect.gather [hbm4b:s5+s13], $0x20, s13, s13, $0xb8;
	[tilespmem:$0x8A00] =	vst v63  }
0x24: {  	s25 =	simm.s32 $0x5400  }
0x25: {  	[tilespmem:s25], [sflag:$0x1] =	stream.indirect.gather [hbm4b:s6+s13], $0x20, s17, s13, $0xb8;
	[tilespmem:$0x8A00] =	vst v63  }
0x26: {  	s25 =	simm.s32 $0x8480  }
0x27: {  	[tilespmem:s25], [sflag:$0x1] =	stream.indirect.gather [hbm4b:s1+s13], $0x1, s13, s13, $0xb8;
	[tilespmem:$0x8A00] =	vst v63  }
0x28: {  	s25 =	simm.s32 $0x8680  }
0x29: {  	[tilespmem:s25], [sflag:$0x1] =	stream.indirect.gather [hbm4b:s2+s13], $0x1, s17, s13, $0xb8;
	[tilespmem:$0x8A00] =	vst v63  }
0x2a: {  	s25 =	simm.s32 $0x2400  }
0x2b: {  	[tilespmem:s25], [sflag:$0x1] =	stream.indirect.gather [hbm4b:s5+s13], $0x20, s21, s13, $0xb8;
	[tilespmem:$0x8A00] =	vst v63  }
0x2c: {  	s25 =	simm.s32 $0x6400  }
0x2d: {  	[tilespmem:s25], [sflag:$0x1] =	stream.indirect.gather [hbm4b:s6+s13], $0x20, s23, s13, $0xb8;
	[tilespmem:$0x8A00] =	vst v63  }
0x2e: {  	s25 =	simm.s32 $0x8500  }
0x2f: {  	[tilespmem:s25], [sflag:$0x1] =	stream.indirect.gather [hbm4b:s1+s13], $0x1, s21, s13, $0xb8;
	[tilespmem:$0x8A00] =	vst v63  }
0x30: {  	_ = 	snop  }
0x31: {  	[tilespmem:s26], [sflag:$0x1] =	stream.indirect.gather [hbm4b:s2+s13], $0x1, s23, s13, $0xb8;
	[tilespmem:$0x8A00] =	vst v63  }
0x32: {  	_ = 	snop  }
0x33: {  	[tilespmem:s29], [sflag:$0x1] =	stream.indirect.gather [hbm4b:s5+s13], $0x20, s28, s13, $0xb8;
	[tilespmem:$0x8A00] =	vst v63  }
0x34: {  	_ = 	snop  }
0x35: {  	[tilespmem:s31], [sflag:$0x1] =	stream.indirect.gather [hbm4b:s6+s13], $0x20, s30, s13, $0xb8;
	[tilespmem:$0x8A00] =	vst v63  }
0x36: {  	_ = 	snop  }
0x37: {  	[tilespmem:s0], [sflag:$0x1] =	stream.indirect.gather [hbm4b:s1+s13], $0x1, s28, s13, $0xb8;
	[tilespmem:$0x8A00] =	vst v63  }
0x38: {  	_ = 	snop  }
0x39: {  	[tilespmem:s4], [sflag:$0x1] =	stream.indirect.gather [hbm4b:s2+s13], $0x1, s30, s13, $0xb8;
	[tilespmem:$0x8A00] =	vst v63  }
0x3a: {  	_ =	swait.ge [sflag:s16], $0x1000  }
0x3b: {  	[sflag:s16] =	ssyncset.done $0x0  }
0x3c: {  	[sflag:s16] =	ssyncadd.s32 $0xFFFFF000  }
0x3d: {  	_ =	swait.ge [sflag:s16], $0x1000  }
0x3e: {  	[sflag:s16] =	ssyncset.done $0x0  }
0x3f: {  	[sflag:s16] =	ssyncadd.s32 $0xFFFFF000  }
0x40: {  	_ =	swait.ge [sflag:s16], $0x80  }
0x41: {  	[sflag:s16] =	ssyncset.done $0x0  }
0x42: {  	[sflag:s16] =	ssyncadd.s32 $0xFFFFFF80  }
0x43: {  	_ =	swait.ge [sflag:s16], $0x80  }
0x44: {  	[sflag:s16] =	ssyncset.done $0x0  }
0x45: {  	[sflag:s16] =	ssyncadd.s32 $0xFFFFFF80  }
0x46: {  	_ =	swait.ge [sflag:s16], $0x1000  }
0x47: {  	[sflag:s16] =	ssyncset.done $0x0  }
0x48: {  	[sflag:s16] =	ssyncadd.s32 $0xFFFFF000  }
0x49: {  	_ =	swait.ge [sflag:s16], $0x1000  }
0x4a: {  	[sflag:s16] =	ssyncset.done $0x0  }
0x4b: {  	[sflag:s16] =	ssyncadd.s32 $0xFFFFF000  }
0x4c: {  	_ =	swait.ge [sflag:s16], $0x80  }
0x4d: {  	[sflag:s16] =	ssyncset.done $0x0  }
0x4e: {  	[sflag:s16] =	ssyncadd.s32 $0xFFFFFF80  }
0x4f: {  	_ =	swait.ge [sflag:s16], $0x80  }
0x50: {  	[sflag:s16] =	ssyncset.done $0x0  }
0x51: {  	[sflag:s16] =	ssyncadd.s32 $0xFFFFFF80  }
0x52: {  	_ =	swait.ge [sflag:s16], $0x1000  }
0x53: {  	[sflag:s16] =	ssyncset.done $0x0  }
0x54: {  	[sflag:s16] =	ssyncadd.s32 $0xFFFFF000  }
0x55: {  	_ =	swait.ge [sflag:s16], $0x1000  }
0x56: {  	[sflag:s16] =	ssyncset.done $0x0  }
0x57: {  	[sflag:s16] =	ssyncadd.s32 $0xFFFFF000  }
0x58: {  	_ =	swait.ge [sflag:s16], $0x80  }
0x59: {  	[sflag:s16] =	ssyncset.done $0x0  }
0x5a: {  	[sflag:s16] =	ssyncadd.s32 $0xFFFFFF80  }
0x5b: {  	_ =	swait.ge [sflag:s16], $0x80  }
0x5c: {  	[sflag:s16] =	ssyncset.done $0x0  }
0x5d: {  	[sflag:s16] =	ssyncadd.s32 $0xFFFFFF80  }
0x5e: {  	_ =	swait.ge [sflag:s16], $0x1000  }
0x5f: {  	[sflag:s16] =	ssyncset.done $0x0  }
0x60: {  	[sflag:s16] =	ssyncadd.s32 $0xFFFFF000  }
0x61: {  	_ =	swait.ge [sflag:s16], $0x1000  }
0x62: {  	[sflag:s16] =	ssyncset.done $0x0  }
0x63: {  	[sflag:s16] =	ssyncadd.s32 $0xFFFFF000  }
0x64: {  	v1 =	vmov s3;
	_ =	swait.ge [sflag:s16], $0x80  }
0x65: {  	v1 =	vshll.u32 v1, $0x5;
	[sflag:s16] =	ssyncset.done $0x0  }
0x66: {  	v1 =	vor.u32 v0, v1;
	[sflag:s16] =	ssyncadd.s32 $0xFFFFFF80  }
0x67: {  	_ =	swait.ge [sflag:s16], $0x80  }
0x68: {  	[sflag:s16] =	ssyncset.done $0x0  }
0x69: {  	v2 =	vor.u32 $0x1, v1;
	[sflag:s16] =	ssyncadd.s32 $0xFFFFFF80  }
0x6a: {  	v3 =	vld [tilespmem:s22+$0x0]  }
0x6b: {  	v4 =	vor.u32 $0x2, v1;
	v5 =	vld.idx.msk [tilespmem:v1+s14+$0x0], $0xffff  }
0x6c: {  	v6 =	vld.idx.msk [tilespmem:v1+s15+$0x0], $0xffff  }
0x6d: {  	v7 =	vor.u32 $0x3, v1;
	v8 =	vld [tilespmem:s20+$0x0]  }
0x6e: {  	v9 =	vld.idx.msk [tilespmem:v2+s14+$0x0], $0xffff  }
0x6f: {  	v10 =	vor.u32 $0x4, v1;
	v2 =	vld.idx.msk [tilespmem:v2+s15+$0x0], $0xffff  }
0x70: {  	v11 =	vld.idx.msk [tilespmem:v4+s14+$0x0], $0xffff  }
0x71: {  	v12 =	vor.u32 $0x5, v1;
	v4 =	vld.idx.msk [tilespmem:v4+s15+$0x0], $0xffff  }
0x72: {  	v13 =	vld.idx.msk [tilespmem:v7+s14+$0x0], $0xffff;
	v3 =	vadd.f32 v3, v8;
	v5 =	vmul.f32 v6, v5  }
0x73: {  	v27 =	vor.u32 $0x6, v1;
	v26 =	vld.idx.msk [tilespmem:v7+s15+$0x0], $0xffff  }
0x74: {  	v28 =	vld.idx.msk [tilespmem:v10+s14+$0x0], $0xffff;
	v2 =	vmul.f32 v2, v9;
	v3 =	vadd.f32 v5, v3  }
0x75: {  	v29 =	vor.u32 $0x7, v1;
	v5 =	vld.idx.msk [tilespmem:v10+s15+$0x0], $0xffff  }
0x76: {  	v30 =	vld.idx.msk [tilespmem:v12+s14+$0x0], $0xffff;
	v2 =	vadd.f32 v2, v3;
	v3 =	vmul.f32 v4, v11  }
0x77: {  	v31 =	vor.u32 $0x8, v1;
	v4 =	vld.idx.msk [tilespmem:v12+s15+$0x0], $0xffff  }
0x78: {  	v32 =	vld.idx.msk [tilespmem:v27+s14+$0x0], $0xffff;
	v2 =	vadd.f32 v3, v2;
	v3 =	vmul.f32 v26, v13  }
0x79: {  	v34 =	vor.u32 $0x9, v1;
	v33 =	vld.idx.msk [tilespmem:v27+s15+$0x0], $0xffff  }
0x7a: {  	v35 =	vld.idx.msk [tilespmem:v29+s14+$0x0], $0xffff;
	v2 =	vadd.f32 v3, v2;
	v3 =	vmul.f32 v5, v28  }
0x7b: {  	v36 =	vor.u32 $0xA, v1;
	v5 =	vld.idx.msk [tilespmem:v29+s15+$0x0], $0xffff  }
0x7c: {  	v37 =	vld.idx.msk [tilespmem:v31+s14+$0x0], $0xffff;
	v2 =	vadd.f32 v3, v2;
	v3 =	vmul.f32 v4, v30  }
0x7d: {  	v38 =	vor.u32 $0xB, v1;
	v4 =	vld.idx.msk [tilespmem:v31+s15+$0x0], $0xffff  }
0x7e: {  	v39 =	vld.idx.msk [tilespmem:v34+s14+$0x0], $0xffff;
	v2 =	vadd.f32 v3, v2;
	v3 =	vmul.f32 v33, v32  }
0x7f: {  	v41 =	vor.u32 $0xC, v1;
	v40 =	vld.idx.msk [tilespmem:v34+s15+$0x0], $0xffff  }
0x80: {  	v42 =	vld.idx.msk [tilespmem:v36+s14+$0x0], $0xffff;
	v2 =	vadd.f32 v3, v2;
	v3 =	vmul.f32 v5, v35  }
0x81: {  	v43 =	vor.u32 $0xD, v1;
	v5 =	vld.idx.msk [tilespmem:v36+s15+$0x0], $0xffff  }
0x82: {  	v44 =	vld.idx.msk [tilespmem:v38+s14+$0x0], $0xffff;
	v2 =	vadd.f32 v3, v2;
	v3 =	vmul.f32 v4, v37  }
0x83: {  	v45 =	vor.u32 $0xE, v1;
	v4 =	vld.idx.msk [tilespmem:v38+s15+$0x0], $0xffff  }
0x84: {  	v46 =	vld.idx.msk [tilespmem:v41+s14+$0x0], $0xffff;
	v2 =	vadd.f32 v3, v2;
	v3 =	vmul.f32 v40, v39  }
0x85: {  	v48 =	vor.u32 $0xF, v1;
	v47 =	vld.idx.msk [tilespmem:v41+s15+$0x0], $0xffff  }
0x86: {  	v49 =	vld.idx.msk [tilespmem:v43+s14+$0x0], $0xffff;
	v2 =	vadd.f32 v3, v2;
	v3 =	vmul.f32 v5, v42  }
0x87: {  	v50 =	vor.u32 $0x10, v1;
	v5 =	vld.idx.msk [tilespmem:v43+s15+$0x0], $0xffff  }
0x88: {  	v51 =	vld.idx.msk [tilespmem:v45+s14+$0x0], $0xffff;
	v2 =	vadd.f32 v3, v2;
	v3 =	vmul.f32 v4, v44  }
0x89: {  	v52 =	vor.u32 $0x11, v1;
	v4 =	vld.idx.msk [tilespmem:v45+s15+$0x0], $0xffff  }
0x8a: {  	v53 =	vld.idx.msk [tilespmem:v48+s14+$0x0], $0xffff;
	v2 =	vadd.f32 v3, v2;
	v3 =	vmul.f32 v47, v46  }
0x8b: {  	v55 =	vor.u32 $0x12, v1;
	v54 =	vld.idx.msk [tilespmem:v48+s15+$0x0], $0xffff  }
0x8c: {  	v56 =	vld.idx.msk [tilespmem:v50+s14+$0x0], $0xffff;
	v2 =	vadd.f32 v3, v2;
	v3 =	vmul.f32 v5, v49  }
0x8d: {  	v57 =	vor.u32 $0x13, v1;
	v5 =	vld.idx.msk [tilespmem:v50+s15+$0x0], $0xffff  }
0x8e: {  	v58 =	vld.idx.msk [tilespmem:v52+s14+$0x0], $0xffff;
	v2 =	vadd.f32 v3, v2;
	v3 =	vmul.f32 v4, v51  }
0x8f: {  	v59 =	vor.u32 $0x14, v1;
	v4 =	vld.idx.msk [tilespmem:v52+s15+$0x0], $0xffff  }
0x90: {  	v60 =	vld.idx.msk [tilespmem:v55+s14+$0x0], $0xffff;
	v2 =	vadd.f32 v3, v2;
	v3 =	vmul.f32 v54, v53  }
0x91: {  	v62 =	vor.u32 $0x15, v1;
	v61 =	vld.idx.msk [tilespmem:v55+s15+$0x0], $0xffff  }
0x92: {  	v63 =	vld.idx.msk [tilespmem:v57+s14+$0x0], $0xffff;
	v2 =	vadd.f32 v3, v2;
	v3 =	vmul.f32 v5, v56  }
0x93: {  	v16 =	vor.u32 $0x16, v1;
	v5 =	vld.idx.msk [tilespmem:v57+s15+$0x0], $0xffff  }
0x94: {  	v17 =	vld.idx.msk [tilespmem:v59+s14+$0x0], $0xffff;
	v2 =	vadd.f32 v3, v2;
	v3 =	vmul.f32 v4, v58  }
0x95: {  	v18 =	vor.u32 $0x17, v1;
	v4 =	vld.idx.msk [tilespmem:v59+s15+$0x0], $0xffff  }
0x96: {  	v19 =	vld.idx.msk [tilespmem:v62+s14+$0x0], $0xffff;
	v2 =	vadd.f32 v3, v2;
	v3 =	vmul.f32 v61, v60  }
0x97: {  	v21 =	vor.u32 $0x18, v1;
	v20 =	vld.idx.msk [tilespmem:v62+s15+$0x0], $0xffff  }
0x98: {  	v22 =	vld.idx.msk [tilespmem:v16+s14+$0x0], $0xffff;
	v2 =	vadd.f32 v3, v2;
	v3 =	vmul.f32 v5, v63  }
0x99: {  	v23 =	vor.u32 $0x19, v1;
	v5 =	vld.idx.msk [tilespmem:v16+s15+$0x0], $0xffff  }
0x9a: {  	v24 =	vld.idx.msk [tilespmem:v18+s14+$0x0], $0xffff;
	v2 =	vadd.f32 v3, v2;
	v3 =	vmul.f32 v4, v17  }
0x9b: {  	v25 =	vor.u32 $0x1A, v1;
	v4 =	vld.idx.msk [tilespmem:v18+s15+$0x0], $0xffff  }
0x9c: {  	v27 =	vld.idx.msk [tilespmem:v21+s15+$0x0], $0xffff;
	v2 =	vadd.f32 v3, v2;
	v3 =	vmul.f32 v20, v19  }
0x9d: {  	v26 =	vld.idx.msk [tilespmem:v21+s14+$0x0], $0xffff;
	v28 =	vor.u32 $0x1B, v1  }
0x9e: {  	v29 =	vld.idx.msk [tilespmem:v23+s14+$0x0], $0xffff;
	v2 =	vadd.f32 v3, v2;
	v3 =	vmul.f32 v5, v22  }
0x9f: {  	v30 =	vor.u32 $0x1C, v1;
	v5 =	vld.idx.msk [tilespmem:v23+s15+$0x0], $0xffff  }
0xa0: {  	v31 =	vld.idx.msk [tilespmem:v25+s14+$0x0], $0xffff;
	v2 =	vadd.f32 v3, v2;
	v3 =	vmul.f32 v4, v24  }
0xa1: {  	v32 =	vor.u32 $0x1D, v1;
	v4 =	vld.idx.msk [tilespmem:v25+s15+$0x0], $0xffff  }
0xa2: {  	v33 =	vld.idx.msk [tilespmem:v28+s14+$0x0], $0xffff;
	v2 =	vadd.f32 v3, v2;
	v3 =	vmul.f32 v27, v26  }
0xa3: {  	v34 =	vld.idx.msk [tilespmem:v28+s15+$0x0], $0xffff;
	v35 =	vor.u32 $0x1E, v1  }
0xa4: {  	v36 =	vld.idx.msk [tilespmem:v30+s14+$0x0], $0xffff;
	v2 =	vadd.f32 v3, v2;
	v3 =	vmul.f32 v5, v29  }
0xa5: {  	v1 =	vor.u32 $0x1F, v1;
	v5 =	vld.idx.msk [tilespmem:v30+s15+$0x0], $0xffff  }
0xa6: {  	v37 =	vld.idx.msk [tilespmem:v32+s14+$0x0], $0xffff;
	v2 =	vadd.f32 v3, v2;
	v3 =	vmul.f32 v4, v31  }
0xa7: {  	v4 =	vld.idx.msk [tilespmem:v32+s15+$0x0], $0xffff  }
0xa8: {  	v38 =	vld.idx.msk [tilespmem:v35+s14+$0x0], $0xffff;
	v2 =	vadd.f32 v3, v2;
	v3 =	vmul.f32 v34, v33  }
0xa9: {  	v39 =	vld.idx.msk [tilespmem:v35+s15+$0x0], $0xffff  }
0xaa: {  	v40 =	vld.idx.msk [tilespmem:v1+s14+$0x0], $0xffff;
	v2 =	vadd.f32 v3, v2;
	v3 =	vmul.f32 v5, v36  }
0xab: {  	v1 =	vld.idx.msk [tilespmem:v1+s15+$0x0], $0xffff  }
0xac: {  	v2 =	vadd.f32 v3, v2;
	v3 =	vmul.f32 v4, v37;
	_ =	sdelay $0x1  }
0xad: {  	v2 =	vadd.f32 v3, v2;
	v3 =	vmul.f32 v39, v38;
	_ =	sdelay $0x1  }
0xae: {  	v1 =	vmul.f32 v1, v40;
	v2 =	vadd.f32 v3, v2;
	_ =	sdelay $0x1  }
0xaf: {  	v1 =	vadd.f32 v1, v2;
	_ =	sdelay $0x1  }
0xb0: {  	v1 =	vsub.f32 $0.0e+00, v1;
	_ =	sdelay $0x1  }
0xb1: {  	v1 =	vmul.f32 $1.442695020e+00, v1;
	_ =	sdelay $0x1  }
0xb2: {  	(erf) = vpow2.f32 v1;
	_ =	sdelay $0x8  }
0xb3: {  	v1 =	vpop (erf)  }
0xb4: {  	v1 =	vadd.f32 $1.000000000e+00, v1;
	_ =	sdelay $0x1  }
0xb5: {  	(erf) = vrcp.f32 v1;
	_ =	sdelay $0x7  }
0xb6: {  	s24 =	simm.s32 $0x10  }
0xb7: {  	v1 =	vmov s24;
	v2 =	vpop (erf)  }
0xb8: {  	v1 =	vshll.u32 v1, $0x5;
	v2 =	vmul.f32 $4.000000000e+00, v2  }
0xb9: {  	v1 =	vor.u32 v0, v1  }
0xba: {  	v2 =	vadd.f32 $1.000000000e+00, v2;
	_ =	sdelay $0x1  }
0xbb: {  	s20 =	simm.s32 $0x8610;
	v3 =	vor.u32 $0x1, v1;
	[tilespmem:s18+$0x0] =	vst v2  }
0xbc: {  	v2 =	vld [tilespmem:s20+$0x0]  }
0xbd: {  	v4 =	vor.u32 $0x2, v1;
	v5 =	vld.idx.msk [tilespmem:v1+s14+$0x0], $0xffff  }
0xbe: {  	s22 =	simm.s32 $0x8410;
	v41 =	vld.idx.msk [tilespmem:v1+s15+$0x0], $0xffff  }
0xbf: {  	v42 =	vor.u32 $0x3, v1;
	v43 =	vld [tilespmem:s22+$0x0]  }
0xc0: {  	v44 =	vld.idx.msk [tilespmem:v3+s14+$0x0], $0xffff  }
0xc1: {  	v45 =	vor.u32 $0x4, v1;
	v3 =	vld.idx.msk [tilespmem:v3+s15+$0x0], $0xffff  }
0xc2: {  	v46 =	vld.idx.msk [tilespmem:v4+s14+$0x0], $0xffff  }
0xc3: {  	v47 =	vor.u32 $0x5, v1;
	v4 =	vld.idx.msk [tilespmem:v4+s15+$0x0], $0xffff  }
0xc4: {  	v48 =	vld.idx.msk [tilespmem:v42+s14+$0x0], $0xffff;
	v2 =	vadd.f32 v2, v43;
	v5 =	vmul.f32 v41, v5  }
0xc5: {  	v50 =	vor.u32 $0x6, v1;
	v49 =	vld.idx.msk [tilespmem:v42+s15+$0x0], $0xffff  }
0xc6: {  	v51 =	vld.idx.msk [tilespmem:v45+s14+$0x0], $0xffff;
	v3 =	vmul.f32 v3, v44;
	v2 =	vadd.f32 v5, v2  }
0xc7: {  	v52 =	vor.u32 $0x7, v1;
	v5 =	vld.idx.msk [tilespmem:v45+s15+$0x0], $0xffff  }
0xc8: {  	v53 =	vld.idx.msk [tilespmem:v47+s14+$0x0], $0xffff;
	v2 =	vadd.f32 v3, v2;
	v3 =	vmul.f32 v4, v46  }
0xc9: {  	v54 =	vor.u32 $0x8, v1;
	v4 =	vld.idx.msk [tilespmem:v47+s15+$0x0], $0xffff  }
0xca: {  	v55 =	vld.idx.msk [tilespmem:v50+s14+$0x0], $0xffff;
	v2 =	vadd.f32 v3, v2;
	v3 =	vmul.f32 v49, v48  }
0xcb: {  	v57 =	vor.u32 $0x9, v1;
	v56 =	vld.idx.msk [tilespmem:v50+s15+$0x0], $0xffff  }
0xcc: {  	v58 =	vld.idx.msk [tilespmem:v52+s14+$0x0], $0xffff;
	v2 =	vadd.f32 v3, v2;
	v3 =	vmul.f32 v5, v51  }
0xcd: {  	v59 =	vor.u32 $0xA, v1;
	v5 =	vld.idx.msk [tilespmem:v52+s15+$0x0], $0xffff  }
0xce: {  	v60 =	vld.idx.msk [tilespmem:v54+s14+$0x0], $0xffff;
	v2 =	vadd.f32 v3, v2;
	v3 =	vmul.f32 v4, v53  }
0xcf: {  	v61 =	vor.u32 $0xB, v1;
	v4 =	vld.idx.msk [tilespmem:v54+s15+$0x0], $0xffff  }
0xd0: {  	v62 =	vld.idx.msk [tilespmem:v57+s14+$0x0], $0xffff;
	v2 =	vadd.f32 v3, v2;
	v3 =	vmul.f32 v56, v55  }
0xd1: {  	v16 =	vor.u32 $0xC, v1;
	v63 =	vld.idx.msk [tilespmem:v57+s15+$0x0], $0xffff  }
0xd2: {  	v17 =	vld.idx.msk [tilespmem:v59+s14+$0x0], $0xffff;
	v2 =	vadd.f32 v3, v2;
	v3 =	vmul.f32 v5, v58  }
0xd3: {  	v18 =	vor.u32 $0xD, v1;
	v5 =	vld.idx.msk [tilespmem:v59+s15+$0x0], $0xffff  }
0xd4: {  	v19 =	vld.idx.msk [tilespmem:v61+s14+$0x0], $0xffff;
	v2 =	vadd.f32 v3, v2;
	v3 =	vmul.f32 v4, v60  }
0xd5: {  	v20 =	vor.u32 $0xE, v1;
	v4 =	vld.idx.msk [tilespmem:v61+s15+$0x0], $0xffff  }
0xd6: {  	v21 =	vld.idx.msk [tilespmem:v16+s14+$0x0], $0xffff;
	v2 =	vadd.f32 v3, v2;
	v3 =	vmul.f32 v63, v62  }
0xd7: {  	v23 =	vor.u32 $0xF, v1;
	v22 =	vld.idx.msk [tilespmem:v16+s15+$0x0], $0xffff  }
0xd8: {  	v24 =	vld.idx.msk [tilespmem:v18+s14+$0x0], $0xffff;
	v2 =	vadd.f32 v3, v2;
	v3 =	vmul.f32 v5, v17  }
0xd9: {  	v25 =	vor.u32 $0x10, v1;
	v5 =	vld.idx.msk [tilespmem:v18+s15+$0x0], $0xffff  }
0xda: {  	v26 =	vld.idx.msk [tilespmem:v20+s14+$0x0], $0xffff;
	v2 =	vadd.f32 v3, v2;
	v3 =	vmul.f32 v4, v19  }
0xdb: {  	v27 =	vor.u32 $0x11, v1;
	v4 =	vld.idx.msk [tilespmem:v20+s15+$0x0], $0xffff  }
0xdc: {  	v28 =	vld.idx.msk [tilespmem:v23+s14+$0x0], $0xffff;
	v2 =	vadd.f32 v3, v2;
	v3 =	vmul.f32 v22, v21  }
0xdd: {  	v30 =	vor.u32 $0x12, v1;
	v29 =	vld.idx.msk [tilespmem:v23+s15+$0x0], $0xffff  }
0xde: {  	v31 =	vld.idx.msk [tilespmem:v25+s14+$0x0], $0xffff;
	v2 =	vadd.f32 v3, v2;
	v3 =	vmul.f32 v5, v24  }
0xdf: {  	v32 =	vor.u32 $0x13, v1;
	v5 =	vld.idx.msk [tilespmem:v25+s15+$0x0], $0xffff  }
0xe0: {  	v33 =	vld.idx.msk [tilespmem:v27+s14+$0x0], $0xffff;
	v2 =	vadd.f32 v3, v2;
	v3 =	vmul.f32 v4, v26  }
0xe1: {  	v34 =	vor.u32 $0x14, v1;
	v4 =	vld.idx.msk [tilespmem:v27+s15+$0x0], $0xffff  }
0xe2: {  	v35 =	vld.idx.msk [tilespmem:v30+s14+$0x0], $0xffff;
	v2 =	vadd.f32 v3, v2;
	v3 =	vmul.f32 v29, v28  }
0xe3: {  	v37 =	vor.u32 $0x15, v1;
	v36 =	vld.idx.msk [tilespmem:v30+s15+$0x0], $0xffff  }
0xe4: {  	v38 =	vld.idx.msk [tilespmem:v32+s14+$0x0], $0xffff;
	v2 =	vadd.f32 v3, v2;
	v3 =	vmul.f32 v5, v31  }
0xe5: {  	v39 =	vor.u32 $0x16, v1;
	v5 =	vld.idx.msk [tilespmem:v32+s15+$0x0], $0xffff  }
0xe6: {  	v40 =	vld.idx.msk [tilespmem:v34+s14+$0x0], $0xffff;
	v2 =	vadd.f32 v3, v2;
	v3 =	vmul.f32 v4, v33  }
0xe7: {  	v41 =	vor.u32 $0x17, v1;
	v4 =	vld.idx.msk [tilespmem:v34+s15+$0x0], $0xffff  }
0xe8: {  	v42 =	vld.idx.msk [tilespmem:v37+s14+$0x0], $0xffff;
	v2 =	vadd.f32 v3, v2;
	v3 =	vmul.f32 v36, v35  }
0xe9: {  	v43 =	vld.idx.msk [tilespmem:v37+s15+$0x0], $0xffff;
	v44 =	vor.u32 $0x18, v1  }
0xea: {  	v45 =	vld.idx.msk [tilespmem:v39+s14+$0x0], $0xffff;
	v2 =	vadd.f32 v3, v2;
	v3 =	vmul.f32 v5, v38  }
0xeb: {  	v46 =	vor.u32 $0x19, v1;
	v5 =	vld.idx.msk [tilespmem:v39+s15+$0x0], $0xffff  }
0xec: {  	v47 =	vld.idx.msk [tilespmem:v41+s14+$0x0], $0xffff;
	v2 =	vadd.f32 v3, v2;
	v3 =	vmul.f32 v4, v40  }
0xed: {  	v48 =	vor.u32 $0x1A, v1;
	v4 =	vld.idx.msk [tilespmem:v41+s15+$0x0], $0xffff  }
0xee: {  	v50 =	vld.idx.msk [tilespmem:v44+s15+$0x0], $0xffff;
	v2 =	vadd.f32 v3, v2;
	v3 =	vmul.f32 v43, v42  }
0xef: {  	v49 =	vld.idx.msk [tilespmem:v44+s14+$0x0], $0xffff;
	v51 =	vor.u32 $0x1B, v1  }
0xf0: {  	v52 =	vld.idx.msk [tilespmem:v46+s14+$0x0], $0xffff;
	v2 =	vadd.f32 v3, v2;
	v3 =	vmul.f32 v5, v45  }
0xf1: {  	v53 =	vor.u32 $0x1C, v1;
	v5 =	vld.idx.msk [tilespmem:v46+s15+$0x0], $0xffff  }
0xf2: {  	v54 =	vld.idx.msk [tilespmem:v48+s14+$0x0], $0xffff;
	v2 =	vadd.f32 v3, v2;
	v3 =	vmul.f32 v4, v47  }
0xf3: {  	v55 =	vor.u32 $0x1D, v1;
	v4 =	vld.idx.msk [tilespmem:v48+s15+$0x0], $0xffff  }
0xf4: {  	v56 =	vld.idx.msk [tilespmem:v51+s14+$0x0], $0xffff;
	v2 =	vadd.f32 v3, v2;
	v3 =	vmul.f32 v50, v49  }
0xf5: {  	v57 =	vld.idx.msk [tilespmem:v51+s15+$0x0], $0xffff;
	v58 =	vor.u32 $0x1E, v1  }
0xf6: {  	v59 =	vld.idx.msk [tilespmem:v53+s14+$0x0], $0xffff;
	v2 =	vadd.f32 v3, v2;
	v3 =	vmul.f32 v5, v52  }
0xf7: {  	v1 =	vor.u32 $0x1F, v1;
	v5 =	vld.idx.msk [tilespmem:v53+s15+$0x0], $0xffff  }
0xf8: {  	v60 =	vld.idx.msk [tilespmem:v55+s14+$0x0], $0xffff;
	v2 =	vadd.f32 v3, v2;
	v3 =	vmul.f32 v4, v54  }
0xf9: {  	v4 =	vld.idx.msk [tilespmem:v55+s15+$0x0], $0xffff  }
0xfa: {  	v61 =	vld.idx.msk [tilespmem:v58+s14+$0x0], $0xffff;
	v2 =	vadd.f32 v3, v2;
	v3 =	vmul.f32 v57, v56  }
0xfb: {  	v62 =	vld.idx.msk [tilespmem:v58+s15+$0x0], $0xffff  }
0xfc: {  	v63 =	vld.idx.msk [tilespmem:v1+s14+$0x0], $0xffff;
	v2 =	vadd.f32 v3, v2;
	v3 =	vmul.f32 v5, v59  }
0xfd: {  	v1 =	vld.idx.msk [tilespmem:v1+s15+$0x0], $0xffff  }
0xfe: {  	v2 =	vadd.f32 v3, v2;
	v3 =	vmul.f32 v4, v60;
	_ =	sdelay $0x1  }
0xff: {  	v2 =	vadd.f32 v3, v2;
	v3 =	vmul.f32 v62, v61;
	_ =	sdelay $0x1  }
0x100: {  	v1 =	vmul.f32 v1, v63;
	v2 =	vadd.f32 v3, v2;
	_ =	sdelay $0x1  }
0x101: {  	v1 =	vadd.f32 v1, v2;
	_ =	sdelay $0x1  }
0x102: {  	v1 =	vsub.f32 $0.0e+00, v1;
	_ =	sdelay $0x1  }
0x103: {  	v1 =	vmul.f32 $1.442695020e+00, v1;
	_ =	sdelay $0x1  }
0x104: {  	(erf) = vpow2.f32 v1;
	_ =	sdelay $0x8  }
0x105: {  	v1 =	vpop (erf)  }
0x106: {  	v1 =	vadd.f32 $1.000000000e+00, v1;
	_ =	sdelay $0x1  }
0x107: {  	(erf) = vrcp.f32 v1;
	_ =	sdelay $0x5  }
0x108: {  	s25 =	simm.s32 $0x20  }
0x109: {  	v1 =	vmov s25  }
0x10a: {  	v1 =	vshll.u32 v1, $0x5  }
0x10b: {  	v1 =	vor.u32 v0, v1;
	v3 =	vpop (erf)  }
0x10c: {  	v2 =	vor.u32 $0x1, v1;
	v3 =	vmul.f32 $4.000000000e+00, v3  }
0x10d: {  	s24 =	simm.s32 $0x8800;
	s25 =	simm.s32 $0x30  }
.LBB2_2:
0x10e: {  	p0 =	sne.s32 s25, $0x1F0;
	v3 =	vadd.f32 $1.000000000e+00, v3  }
0x10f: {  	s24 =	sadd.s32 $0x10, s24  }
0x110: {  	[tilespmem:s24+$0x0] =	vst v3  }
0x111: {  	s20 =	sadd.s32 $0x10, s20;
	v3 =	vld.idx.msk [tilespmem:v2+s14+$0x0], $0xffff  }
0x112: {  	v5 =	vor.u32 $0x2, v1;
	v4 =	vld [tilespmem:s20+$0x0]  }
0x113: {  	v6 =	vld.idx.msk [tilespmem:v1+s14+$0x0], $0xffff  }
0x114: {  	v8 =	vor.u32 $0x3, v1;
	s22 =	sadd.s32 $0x10, s22;
	v7 =	vld.idx.msk [tilespmem:v1+s15+$0x0], $0xffff  }
0x115: {  	v9 =	vld [tilespmem:s22+$0x0]  }
0x116: {  	v10 =	vor.u32 $0x4, v1;
	v2 =	vld.idx.msk [tilespmem:v2+s15+$0x0], $0xffff  }
0x117: {  	v11 =	vld.idx.msk [tilespmem:v5+s14+$0x0], $0xffff  }
0x118: {  	v12 =	vor.u32 $0x5, v1;
	v5 =	vld.idx.msk [tilespmem:v5+s15+$0x0], $0xffff  }
0x119: {  	v13 =	vld.idx.msk [tilespmem:v8+s14+$0x0], $0xffff  }
0x11a: {  	v6 =	vmul.f32 v7, v6;
	v4 =	vadd.f32 v4, v9;
	v7 =	vld.idx.msk [tilespmem:v8+s15+$0x0], $0xffff;
	v8 =	vor.u32 $0x6, v1  }
0x11b: {  	v9 =	vld.idx.msk [tilespmem:v10+s14+$0x0], $0xffff  }
0x11c: {  	v2 =	vmul.f32 v2, v3;
	v4 =	vadd.f32 v6, v4;
	v3 =	vld.idx.msk [tilespmem:v10+s15+$0x0], $0xffff;
	v6 =	vor.u32 $0x7, v1  }
0x11d: {  	v10 =	vld.idx.msk [tilespmem:v12+s14+$0x0], $0xffff  }
0x11e: {  	v2 =	vadd.f32 v2, v4;
	v4 =	vmul.f32 v5, v11;
	v5 =	vld.idx.msk [tilespmem:v12+s15+$0x0], $0xffff;
	v11 =	vor.u32 $0x8, v1  }
0x11f: {  	v12 =	vld.idx.msk [tilespmem:v8+s14+$0x0], $0xffff  }
0x120: {  	v2 =	vadd.f32 v4, v2;
	v4 =	vmul.f32 v7, v13;
	v7 =	vld.idx.msk [tilespmem:v8+s15+$0x0], $0xffff;
	v8 =	vor.u32 $0x9, v1  }
0x121: {  	v13 =	vld.idx.msk [tilespmem:v6+s14+$0x0], $0xffff  }
0x122: {  	v3 =	vmul.f32 v3, v9;
	v2 =	vadd.f32 v4, v2;
	v4 =	vld.idx.msk [tilespmem:v6+s15+$0x0], $0xffff;
	v6 =	vor.u32 $0xA, v1  }
0x123: {  	v9 =	vld.idx.msk [tilespmem:v11+s14+$0x0], $0xffff  }
0x124: {  	v2 =	vadd.f32 v3, v2;
	v3 =	vmul.f32 v5, v10;
	v5 =	vld.idx.msk [tilespmem:v11+s15+$0x0], $0xffff;
	v10 =	vor.u32 $0xB, v1  }
0x125: {  	v11 =	vld.idx.msk [tilespmem:v8+s14+$0x0], $0xffff  }
0x126: {  	v2 =	vadd.f32 v3, v2;
	v3 =	vmul.f32 v7, v12;
	v7 =	vld.idx.msk [tilespmem:v8+s15+$0x0], $0xffff;
	v8 =	vor.u32 $0xC, v1  }
0x127: {  	v12 =	vld.idx.msk [tilespmem:v6+s14+$0x0], $0xffff  }
0x128: {  	v2 =	vadd.f32 v3, v2;
	v3 =	vmul.f32 v4, v13;
	v4 =	vld.idx.msk [tilespmem:v6+s15+$0x0], $0xffff;
	v6 =	vor.u32 $0xD, v1  }
0x129: {  	v13 =	vld.idx.msk [tilespmem:v10+s14+$0x0], $0xffff  }
0x12a: {  	v2 =	vadd.f32 v3, v2;
	v3 =	vmul.f32 v5, v9;
	v5 =	vld.idx.msk [tilespmem:v10+s15+$0x0], $0xffff;
	v9 =	vor.u32 $0xE, v1  }
0x12b: {  	v10 =	vld.idx.msk [tilespmem:v8+s14+$0x0], $0xffff  }
0x12c: {  	v2 =	vadd.f32 v3, v2;
	v3 =	vmul.f32 v7, v11;
	v7 =	vld.idx.msk [tilespmem:v8+s15+$0x0], $0xffff;
	v8 =	vor.u32 $0xF, v1  }
0x12d: {  	v11 =	vld.idx.msk [tilespmem:v6+s14+$0x0], $0xffff  }
0x12e: {  	v2 =	vadd.f32 v3, v2;
	v3 =	vmul.f32 v4, v12;
	v4 =	vld.idx.msk [tilespmem:v6+s15+$0x0], $0xffff;
	v6 =	vor.u32 $0x10, v1  }
0x12f: {  	v12 =	vld.idx.msk [tilespmem:v9+s14+$0x0], $0xffff  }
0x130: {  	v2 =	vadd.f32 v3, v2;
	v3 =	vmul.f32 v5, v13;
	v5 =	vld.idx.msk [tilespmem:v9+s15+$0x0], $0xffff;
	v9 =	vor.u32 $0x11, v1  }
0x131: {  	v13 =	vld.idx.msk [tilespmem:v8+s14+$0x0], $0xffff  }
0x132: {  	v2 =	vadd.f32 v3, v2;
	v3 =	vmul.f32 v7, v10;
	v7 =	vld.idx.msk [tilespmem:v8+s15+$0x0], $0xffff;
	v8 =	vor.u32 $0x12, v1  }
0x133: {  	v10 =	vld.idx.msk [tilespmem:v6+s14+$0x0], $0xffff  }
0x134: {  	v2 =	vadd.f32 v3, v2;
	v3 =	vmul.f32 v4, v11;
	v4 =	vld.idx.msk [tilespmem:v6+s15+$0x0], $0xffff;
	v6 =	vor.u32 $0x13, v1  }
0x135: {  	v11 =	vld.idx.msk [tilespmem:v9+s14+$0x0], $0xffff  }
0x136: {  	v2 =	vadd.f32 v3, v2;
	v3 =	vmul.f32 v5, v12;
	v5 =	vld.idx.msk [tilespmem:v9+s15+$0x0], $0xffff;
	v9 =	vor.u32 $0x14, v1  }
0x137: {  	v12 =	vld.idx.msk [tilespmem:v8+s14+$0x0], $0xffff  }
0x138: {  	v2 =	vadd.f32 v3, v2;
	v3 =	vmul.f32 v7, v13;
	v7 =	vld.idx.msk [tilespmem:v8+s15+$0x0], $0xffff;
	v8 =	vor.u32 $0x15, v1  }
0x139: {  	v13 =	vld.idx.msk [tilespmem:v6+s14+$0x0], $0xffff  }
0x13a: {  	v2 =	vadd.f32 v3, v2;
	v3 =	vmul.f32 v4, v10;
	v4 =	vld.idx.msk [tilespmem:v6+s15+$0x0], $0xffff;
	v6 =	vor.u32 $0x16, v1  }
0x13b: {  	v10 =	vld.idx.msk [tilespmem:v9+s14+$0x0], $0xffff  }
0x13c: {  	v2 =	vadd.f32 v3, v2;
	v3 =	vmul.f32 v5, v11;
	v5 =	vld.idx.msk [tilespmem:v9+s15+$0x0], $0xffff;
	v9 =	vor.u32 $0x17, v1  }
0x13d: {  	v11 =	vld.idx.msk [tilespmem:v8+s14+$0x0], $0xffff  }
0x13e: {  	v2 =	vadd.f32 v3, v2;
	v3 =	vmul.f32 v7, v12;
	v7 =	vld.idx.msk [tilespmem:v8+s15+$0x0], $0xffff;
	v8 =	vor.u32 $0x18, v1  }
0x13f: {  	v12 =	vld.idx.msk [tilespmem:v6+s14+$0x0], $0xffff  }
0x140: {  	v2 =	vadd.f32 v3, v2;
	v3 =	vmul.f32 v4, v13;
	v4 =	vld.idx.msk [tilespmem:v6+s15+$0x0], $0xffff;
	v6 =	vor.u32 $0x19, v1  }
0x141: {  	v13 =	vld.idx.msk [tilespmem:v9+s14+$0x0], $0xffff  }
0x142: {  	v2 =	vadd.f32 v3, v2;
	v3 =	vmul.f32 v5, v10;
	v5 =	vld.idx.msk [tilespmem:v9+s15+$0x0], $0xffff;
	v9 =	vor.u32 $0x1A, v1  }
0x143: {  	v10 =	vld.idx.msk [tilespmem:v8+s14+$0x0], $0xffff  }
0x144: {  	v2 =	vadd.f32 v3, v2;
	v3 =	vmul.f32 v7, v11;
	v7 =	vld.idx.msk [tilespmem:v8+s15+$0x0], $0xffff;
	v8 =	vor.u32 $0x1B, v1  }
0x145: {  	v11 =	vld.idx.msk [tilespmem:v6+s14+$0x0], $0xffff  }
0x146: {  	v2 =	vadd.f32 v3, v2;
	v3 =	vmul.f32 v4, v12;
	v4 =	vld.idx.msk [tilespmem:v6+s15+$0x0], $0xffff;
	v6 =	vor.u32 $0x1C, v1  }
0x147: {  	v12 =	vld.idx.msk [tilespmem:v9+s14+$0x0], $0xffff  }
0x148: {  	v2 =	vadd.f32 v3, v2;
	v3 =	vmul.f32 v5, v13;
	v5 =	vld.idx.msk [tilespmem:v9+s15+$0x0], $0xffff;
	v9 =	vor.u32 $0x1D, v1  }
0x149: {  	v13 =	vld.idx.msk [tilespmem:v8+s14+$0x0], $0xffff  }
0x14a: {  	v2 =	vadd.f32 v3, v2;
	v3 =	vmul.f32 v7, v10;
	v7 =	vld.idx.msk [tilespmem:v8+s15+$0x0], $0xffff;
	v8 =	vor.u32 $0x1E, v1  }
0x14b: {  	v10 =	vld.idx.msk [tilespmem:v6+s14+$0x0], $0xffff  }
0x14c: {  	v1 =	vor.u32 $0x1F, v1;
	v2 =	vadd.f32 v3, v2;
	v3 =	vmul.f32 v4, v11;
	v4 =	vld.idx.msk [tilespmem:v6+s15+$0x0], $0xffff  }
0x14d: {  	v6 =	vld.idx.msk [tilespmem:v9+s14+$0x0], $0xffff  }
0x14e: {  	v2 =	vadd.f32 v3, v2;
	v3 =	vmul.f32 v5, v12;
	v5 =	vld.idx.msk [tilespmem:v9+s15+$0x0], $0xffff  }
0x14f: {  	v9 =	vld.idx.msk [tilespmem:v8+s14+$0x0], $0xffff  }
0x150: {  	v2 =	vadd.f32 v3, v2;
	v3 =	vmul.f32 v7, v13;
	v7 =	vld.idx.msk [tilespmem:v8+s15+$0x0], $0xffff  }
0x151: {  	v8 =	vld.idx.msk [tilespmem:v1+s14+$0x0], $0xffff  }
0x152: {  	v2 =	vadd.f32 v3, v2;
	v3 =	vmul.f32 v4, v10;
	v1 =	vld.idx.msk [tilespmem:v1+s15+$0x0], $0xffff;
	_ =	sdelay $0x1  }
0x153: {  	v2 =	vadd.f32 v3, v2;
	v3 =	vmul.f32 v5, v6;
	_ =	sdelay $0x1  }
0x154: {  	v2 =	vadd.f32 v3, v2;
	v3 =	vmul.f32 v7, v9;
	_ =	sdelay $0x1  }
0x155: {  	v1 =	vmul.f32 v1, v8;
	v2 =	vadd.f32 v3, v2;
	_ =	sdelay $0x1  }
0x156: {  	v1 =	vadd.f32 v1, v2;
	_ =	sdelay $0x1  }
0x157: {  	v1 =	vsub.f32 $0.0e+00, v1;
	_ =	sdelay $0x1  }
0x158: {  	v1 =	vmul.f32 $1.442695020e+00, v1;
	_ =	sdelay $0x1  }
0x159: {  	(erf) = vpow2.f32 v1;
	_ =	sdelay $0x8  }
0x15a: {  	v1 =	vpop (erf)  }
0x15b: {  	v1 =	vadd.f32 $1.000000000e+00, v1;
	_ =	sdelay $0x1  }
0x15c: {  	(erf) = vrcp.f32 v1;
	_ =	sdelay $0x6  }
.Ltmp0:
0x15d: {  	v1 =	vmov s25;
	(pc) =	sbr.rel @p0 .LBB2_2-.Ltmp0, $4  }
0x15e: {  	v1 =	vshll.u32 v1, $0x5  }
0x15f: {  	v1 =	vor.u32 v0, v1;
	v3 =	vpop (erf)  }
0x160: {  	v2 =	vor.u32 $0x1, v1;
	v3 =	vmul.f32 $4.000000000e+00, v3  }
0x161: {  	s25 =	sadd.s32 $0x10, s25  }
0x162: {  	v3 =	vadd.f32 $1.000000000e+00, v3  }
0x163: {  	s24 =	sadd.s32 $0x10, s24  }
0x164: {  	s20 =	sadd.s32 $0x10, s20;
	[tilespmem:s24+$0x0] =	vst v3  }
0x165: {  	v3 =	vld [tilespmem:s20+$0x0]  }
0x166: {  	v4 =	vor.u32 $0x2, v1;
	v5 =	vld.idx.msk [tilespmem:v1+s14+$0x0], $0xffff  }
0x167: {  	s22 =	sadd.s32 $0x10, s22;
	v6 =	vld.idx.msk [tilespmem:v1+s15+$0x0], $0xffff  }
0x168: {  	v7 =	vor.u32 $0x3, v1;
	v8 =	vld [tilespmem:s22+$0x0]  }
0x169: {  	v9 =	vld.idx.msk [tilespmem:v2+s14+$0x0], $0xffff  }
0x16a: {  	v10 =	vor.u32 $0x4, v1;
	v2 =	vld.idx.msk [tilespmem:v2+s15+$0x0], $0xffff  }
0x16b: {  	v11 =	vld.idx.msk [tilespmem:v4+s14+$0x0], $0xffff  }
0x16c: {  	v12 =	vor.u32 $0x5, v1;
	v4 =	vld.idx.msk [tilespmem:v4+s15+$0x0], $0xffff  }
0x16d: {  	v13 =	vld.idx.msk [tilespmem:v7+s14+$0x0], $0xffff;
	v3 =	vadd.f32 v3, v8;
	v5 =	vmul.f32 v6, v5  }
0x16e: {  	v32 =	vor.u32 $0x6, v1;
	v31 =	vld.idx.msk [tilespmem:v7+s15+$0x0], $0xffff  }
0x16f: {  	v33 =	vld.idx.msk [tilespmem:v10+s14+$0x0], $0xffff;
	v2 =	vmul.f32 v2, v9;
	v3 =	vadd.f32 v5, v3  }
0x170: {  	v35 =	vor.u32 $0x7, v1;
	v34 =	vld.idx.msk [tilespmem:v10+s15+$0x0], $0xffff  }
0x171: {  	v36 =	vld.idx.msk [tilespmem:v12+s14+$0x0], $0xffff;
	v2 =	vadd.f32 v2, v3;
	v3 =	vmul.f32 v4, v11  }
0x172: {  	v38 =	vor.u32 $0x8, v1;
	v37 =	vld.idx.msk [tilespmem:v12+s15+$0x0], $0xffff  }
0x173: {  	v39 =	vld.idx.msk [tilespmem:v32+s14+$0x0], $0xffff;
	v2 =	vadd.f32 v3, v2;
	v3 =	vmul.f32 v31, v13  }
0x174: {  	v41 =	vor.u32 $0x9, v1;
	v40 =	vld.idx.msk [tilespmem:v32+s15+$0x0], $0xffff  }
0x175: {  	v42 =	vld.idx.msk [tilespmem:v35+s14+$0x0], $0xffff;
	v2 =	vadd.f32 v3, v2;
	v3 =	vmul.f32 v34, v33  }
0x176: {  	v44 =	vor.u32 $0xA, v1;
	v43 =	vld.idx.msk [tilespmem:v35+s15+$0x0], $0xffff  }
0x177: {  	v45 =	vld.idx.msk [tilespmem:v38+s14+$0x0], $0xffff;
	v2 =	vadd.f32 v3, v2;
	v3 =	vmul.f32 v37, v36  }
0x178: {  	v47 =	vor.u32 $0xB, v1;
	v46 =	vld.idx.msk [tilespmem:v38+s15+$0x0], $0xffff  }
0x179: {  	v48 =	vld.idx.msk [tilespmem:v41+s14+$0x0], $0xffff;
	v2 =	vadd.f32 v3, v2;
	v3 =	vmul.f32 v40, v39  }
0x17a: {  	v50 =	vor.u32 $0xC, v1;
	v49 =	vld.idx.msk [tilespmem:v41+s15+$0x0], $0xffff  }
0x17b: {  	v51 =	vld.idx.msk [tilespmem:v44+s14+$0x0], $0xffff;
	v2 =	vadd.f32 v3, v2;
	v3 =	vmul.f32 v43, v42  }
0x17c: {  	v53 =	vor.u32 $0xD, v1;
	v52 =	vld.idx.msk [tilespmem:v44+s15+$0x0], $0xffff  }
0x17d: {  	v54 =	vld.idx.msk [tilespmem:v47+s14+$0x0], $0xffff;
	v2 =	vadd.f32 v3, v2;
	v3 =	vmul.f32 v46, v45  }
0x17e: {  	v56 =	vor.u32 $0xE, v1;
	v55 =	vld.idx.msk [tilespmem:v47+s15+$0x0], $0xffff  }
0x17f: {  	v57 =	vld.idx.msk [tilespmem:v50+s14+$0x0], $0xffff;
	v2 =	vadd.f32 v3, v2;
	v3 =	vmul.f32 v49, v48  }
0x180: {  	v59 =	vor.u32 $0xF, v1;
	v58 =	vld.idx.msk [tilespmem:v50+s15+$0x0], $0xffff  }
0x181: {  	v60 =	vld.idx.msk [tilespmem:v53+s14+$0x0], $0xffff;
	v2 =	vadd.f32 v3, v2;
	v3 =	vmul.f32 v52, v51  }
0x182: {  	v62 =	vor.u32 $0x10, v1;
	v61 =	vld.idx.msk [tilespmem:v53+s15+$0x0], $0xffff  }
0x183: {  	v63 =	vld.idx.msk [tilespmem:v56+s14+$0x0], $0xffff;
	v2 =	vadd.f32 v3, v2;
	v3 =	vmul.f32 v55, v54  }
0x184: {  	v17 =	vor.u32 $0x11, v1;
	v16 =	vld.idx.msk [tilespmem:v56+s15+$0x0], $0xffff  }
0x185: {  	v18 =	vld.idx.msk [tilespmem:v59+s14+$0x0], $0xffff;
	v2 =	vadd.f32 v3, v2;
	v3 =	vmul.f32 v58, v57  }
0x186: {  	v20 =	vor.u32 $0x12, v1;
	v19 =	vld.idx.msk [tilespmem:v59+s15+$0x0], $0xffff  }
0x187: {  	v21 =	vld.idx.msk [tilespmem:v62+s14+$0x0], $0xffff;
	v2 =	vadd.f32 v3, v2;
	v3 =	vmul.f32 v61, v60  }
0x188: {  	v23 =	vor.u32 $0x13, v1;
	v22 =	vld.idx.msk [tilespmem:v62+s15+$0x0], $0xffff  }
0x189: {  	v24 =	vld.idx.msk [tilespmem:v17+s14+$0x0], $0xffff;
	v2 =	vadd.f32 v3, v2;
	v3 =	vmul.f32 v16, v63  }
0x18a: {  	v26 =	vor.u32 $0x14, v1;
	v25 =	vld.idx.msk [tilespmem:v17+s15+$0x0], $0xffff  }
0x18b: {  	v27 =	vld.idx.msk [tilespmem:v20+s14+$0x0], $0xffff;
	v2 =	vadd.f32 v3, v2;
	v3 =	vmul.f32 v19, v18  }
0x18c: {  	v29 =	vor.u32 $0x15, v1;
	v28 =	vld.idx.msk [tilespmem:v20+s15+$0x0], $0xffff  }
0x18d: {  	v30 =	vld.idx.msk [tilespmem:v23+s14+$0x0], $0xffff;
	v2 =	vadd.f32 v3, v2;
	v3 =	vmul.f32 v22, v21  }
0x18e: {  	v32 =	vor.u32 $0x16, v1;
	v31 =	vld.idx.msk [tilespmem:v23+s15+$0x0], $0xffff  }
0x18f: {  	v33 =	vld.idx.msk [tilespmem:v26+s14+$0x0], $0xffff;
	v2 =	vadd.f32 v3, v2;
	v3 =	vmul.f32 v25, v24  }
0x190: {  	v35 =	vor.u32 $0x17, v1;
	v34 =	vld.idx.msk [tilespmem:v26+s15+$0x0], $0xffff  }
0x191: {  	v36 =	vld.idx.msk [tilespmem:v29+s14+$0x0], $0xffff;
	v2 =	vadd.f32 v3, v2;
	v3 =	vmul.f32 v28, v27  }
0x192: {  	v38 =	vor.u32 $0x18, v1;
	v37 =	vld.idx.msk [tilespmem:v29+s15+$0x0], $0xffff  }
0x193: {  	v39 =	vld.idx.msk [tilespmem:v32+s14+$0x0], $0xffff;
	v2 =	vadd.f32 v3, v2;
	v3 =	vmul.f32 v31, v30  }
0x194: {  	v41 =	vor.u32 $0x19, v1;
	v40 =	vld.idx.msk [tilespmem:v32+s15+$0x0], $0xffff  }
0x195: {  	v42 =	vld.idx.msk [tilespmem:v35+s14+$0x0], $0xffff;
	v2 =	vadd.f32 v3, v2;
	v3 =	vmul.f32 v34, v33  }
0x196: {  	v44 =	vor.u32 $0x1A, v1;
	v43 =	vld.idx.msk [tilespmem:v35+s15+$0x0], $0xffff  }
0x197: {  	v45 =	vld.idx.msk [tilespmem:v38+s14+$0x0], $0xffff;
	v2 =	vadd.f32 v3, v2;
	v3 =	vmul.f32 v37, v36  }
0x198: {  	v47 =	vor.u32 $0x1B, v1;
	v46 =	vld.idx.msk [tilespmem:v38+s15+$0x0], $0xffff  }
0x199: {  	v48 =	vld.idx.msk [tilespmem:v41+s14+$0x0], $0xffff;
	v2 =	vadd.f32 v3, v2;
	v3 =	vmul.f32 v40, v39  }
0x19a: {  	v50 =	vor.u32 $0x1C, v1;
	v49 =	vld.idx.msk [tilespmem:v41+s15+$0x0], $0xffff  }
0x19b: {  	v51 =	vld.idx.msk [tilespmem:v44+s14+$0x0], $0xffff;
	v2 =	vadd.f32 v3, v2;
	v3 =	vmul.f32 v43, v42  }
0x19c: {  	v53 =	vor.u32 $0x1D, v1;
	v52 =	vld.idx.msk [tilespmem:v44+s15+$0x0], $0xffff  }
0x19d: {  	v54 =	vld.idx.msk [tilespmem:v47+s14+$0x0], $0xffff;
	v2 =	vadd.f32 v3, v2;
	v3 =	vmul.f32 v46, v45  }
0x19e: {  	v56 =	vor.u32 $0x1E, v1;
	v55 =	vld.idx.msk [tilespmem:v47+s15+$0x0], $0xffff  }
0x19f: {  	v57 =	vld.idx.msk [tilespmem:v50+s14+$0x0], $0xffff;
	v2 =	vadd.f32 v3, v2;
	v3 =	vmul.f32 v49, v48  }
0x1a0: {  	v1 =	vor.u32 $0x1F, v1;
	v58 =	vld.idx.msk [tilespmem:v50+s15+$0x0], $0xffff  }
0x1a1: {  	v59 =	vld.idx.msk [tilespmem:v53+s14+$0x0], $0xffff;
	v2 =	vadd.f32 v3, v2;
	v3 =	vmul.f32 v52, v51  }
0x1a2: {  	v60 =	vld.idx.msk [tilespmem:v53+s15+$0x0], $0xffff  }
0x1a3: {  	v62 =	vld.idx.msk [tilespmem:v56+s15+$0x0], $0xffff;
	v2 =	vadd.f32 v3, v2;
	v3 =	vmul.f32 v55, v54  }
0x1a4: {  	v61 =	vld.idx.msk [tilespmem:v56+s14+$0x0], $0xffff  }
0x1a5: {  	v63 =	vld.idx.msk [tilespmem:v1+s14+$0x0], $0xffff;
	v2 =	vadd.f32 v3, v2;
	v3 =	vmul.f32 v58, v57  }
0x1a6: {  	v1 =	vld.idx.msk [tilespmem:v1+s15+$0x0], $0xffff  }
0x1a7: {  	v2 =	vadd.f32 v3, v2;
	v3 =	vmul.f32 v60, v59;
	_ =	sdelay $0x1  }
0x1a8: {  	v2 =	vadd.f32 v3, v2;
	v3 =	vmul.f32 v62, v61;
	_ =	sdelay $0x1  }
0x1a9: {  	v1 =	vmul.f32 v1, v63;
	v2 =	vadd.f32 v3, v2;
	_ =	sdelay $0x1  }
0x1aa: {  	v1 =	vadd.f32 v1, v2;
	_ =	sdelay $0x1  }
0x1ab: {  	v1 =	vsub.f32 $0.0e+00, v1;
	_ =	sdelay $0x1  }
0x1ac: {  	v1 =	vmul.f32 $1.442695020e+00, v1;
	_ =	sdelay $0x1  }
0x1ad: {  	(erf) = vpow2.f32 v1;
	_ =	sdelay $0x8  }
0x1ae: {  	v1 =	vpop (erf)  }
0x1af: {  	v1 =	vadd.f32 $1.000000000e+00, v1;
	_ =	sdelay $0x1  }
0x1b0: {  	(erf) = vrcp.f32 v1;
	_ =	sdelay $0x8  }
0x1b1: {  	v1 =	vpop (erf)  }
0x1b2: {  	v1 =	vmul.f32 $4.000000000e+00, v1;
	_ =	sdelay $0x1  }
0x1b3: {  	s19 =	sadd.s32 $0x1, s19;
	v1 =	vadd.f32 $1.000000000e+00, v1  }
0x1b4: {  	s25 =	sadd.s32 $0x10, s24;
	p0 =	sne.s32 s19, s10  }
.Ltmp1:
0x1b5: {  	[tilespmem:s25+$0x0] =	vst v1;
	(pc) =	sbr.rel @p0 .LBB2_1-.Ltmp1, $4  }
0x1b6: {  	[hbm4b:s9+s3] =	stream.linear.scatter [tilespmem:s18], [sflag:$0x2], $0x200, $0x38;
	[tilespmem:$0x8A00] =	vst v63  }
0x1b7: {  	_ =	swait.ge [sflag:s11], $0x200  }
0x1b8: {  	[sflag:s11] =	ssyncset.done $0x0  }
0x1b9: {  	[sflag:s11] =	ssyncadd.s32 $0xFFFFFE00  }
0x1ba: {  	_ =	sfence.sel $0x180000  }
0x1bb: {  	[bflag:$0x0] =	sbarrier.arrive $0xFFFF  }
0x1bc: {  	_ =	strace $0x90000047  }
0x1bd: {  	s0 =	stileid.u32;
	[bflag:$0x2] =	sbarrier.arrive $0xFFFF  }
0x1be: {  	p0 =	sne.s32 s0, $0x0;
	s0 =	rddreg [dreg:$0x6]  }
0x1bf: {  	s0 =	sadd.s32 @!p0 $0x100000, s0  }
0x1c0: {  	[sflag:s0] =	ssyncadd.tile.s32 @!p0 $0x1;
	_ =	shalt  }
.Lfunc_end2:
_tile_overlayer_lowered:
.L_overlay_start_2:
0x1c1: {  	(tag) =	ssettag $0x2  }
0x1c2: {  	s0 =	rddreg [dreg:$0x0];
	s2 =	stileid.u32  }
0x1c3: {  	s1 =	rddreg [dreg:$0x1];
	p0 =	sne.s32 s2, $0x0  }
0x1c4: {  	s3 =	rddreg [dreg:$0x2];
	[bflag:$0x3] =	sbarrier.arrive $0xFFFF;
	s2 =	simm.s32 @!p0 $0x1C02  }
0x1c5: {  	[timem:s3], [sflag:s2] =	dma.local @!p0 [hbm:s0], s1  }
0x1c6: {  	s0 =	simm.s32 @!p0 $0x2  }
0x1c7: {  	_ =	swait.ge @!p0 [sflag:s0], s1  }
0x1c8: {  	s1 =	ssub.s32 @!p0 $0x0, s1;
	[sflag:s0] =	ssyncset.done @!p0 $0x0  }
0x1c9: {  	[sflag:s0] =	ssyncadd.s32 @!p0 s1  }
0x1ca: {  	[bflag:$0x3] =	sbarrier.arrive $0xFFFF  }
0x1cb: {  	_ =	shalt  }

</sc_bundles>
